<compile_context>
chip_gen: v7x
topology: tpu7x:2x2x1
jax: 0.10.2.dev20260603
libtpu: 0.0.44.dev20260713+nightly
codegen_flags: <defaults>
</compile_context>

<pallas_src>
import functools
import jax
import jax.numpy as jnp
from jax import lax
from jax.experimental import pallas as pl
from jax.experimental.pallas import tpu as pltpu
from jax.experimental.pallas import tpu_sc as plsc

F32 = jnp.float32
LN_EPS = 1e-12
B = 2048
EMB = 256
HID = 768
NPOS = 512
NSPAN = 30
NW = 32
BPW = B // NW
BLK = 512

@functools.cache
def _sc_gather_counts_fn():
    mesh = plsc.VectorSubcoreMesh(core_axis_name="c", subcore_axis_name="s")
    return functools.partial(
        pl.kernel,
        out_type=[
            jax.ShapeDtypeStruct((B, EMB), F32),
            jax.ShapeDtypeStruct((B, NPOS), F32),
        ],
        mesh=mesh,
        compiler_params=pltpu.CompilerParams(needs_layout_passes=False,
                                             use_tc_tiling_on_sc=True),
        scratch_types=[
            pltpu.VMEM((BPW,), jnp.int32),
            pltpu.VMEM((BPW, EMB), F32),
            pltpu.VMEM((BPW, NSPAN), jnp.int32),
            pltpu.VMEM((BPW, NPOS), F32),
            pltpu.SemaphoreType.DMA,
            pltpu.SemaphoreType.DMA,
        ],
    )(_sc_gather_counts)


def _sc_gather_counts(table_hbm, eid_hbm, pid_hbm, ent_out, cnt_out,
                      idx_v, rows_v, pid_v, cnt_v, sem, sem2):
    wid = lax.axis_index("s") * 2 + lax.axis_index("c")
    base = wid * BPW
    pltpu.sync_copy(eid_hbm.at[wid // 2, pl.ds((wid % 2) * BPW, BPW)], idx_v)
    gat = pltpu.async_copy(table_hbm.at[idx_v], rows_v, sem)
    pidc = pltpu.async_copy(
        pid_hbm.at[wid // 2, pl.ds((wid % 2) * BPW, BPW), :], pid_v, sem2)

    zeros16 = jnp.zeros((16,), F32)
    ones16 = jnp.ones((16,), F32)
    lane = lax.iota(jnp.int32, 16)

    def zero_body(c, carry2):
        r = c // (NPOS // 64)
        c4 = c % (NPOS // 64)
        for u in range(4):
            cnt_v[r, pl.ds(c4 * 64 + u * 16, 16)] = zeros16
        return carry2

    lax.fori_loop(0, BPW * (NPOS // 64), zero_body, 0)
    pidc.wait()
    gat.wait()
    ent_h = pltpu.async_copy(rows_v, ent_out.at[pl.ds(base, BPW)], sem)

    def row_body(r, carry):
        v0 = pid_v[r, pl.ds(0, 16)]
        v1 = pid_v[r, pl.ds(NSPAN - 16, 16)]
        m0 = v0 >= 0
        m1 = (v1 >= 0) & (lane >= 32 - NSPAN)
        rvec = jnp.full((16,), 0, jnp.int32) + r
        plsc.addupdate_scatter(cnt_v, [rvec, v0], ones16, mask=m0)
        plsc.addupdate_scatter(cnt_v, [rvec, v1], ones16, mask=m1)
        return carry

    CH = 16
    cnt_hs = []
    for k in range(BPW // CH):
        lax.fori_loop(k * CH, (k + 1) * CH, row_body, 0)
        cnt_hs.append(pltpu.async_copy(
            cnt_v.at[pl.ds(k * CH, CH)],
            cnt_out.at[pl.ds(base + k * CH, CH)], sem2))
    ent_h.wait()
    for h in cnt_hs:
        h.wait()


def _tc_body(ent_ref, cnt_ref, tt_ref, wt_ref, pos_ref, type_ref,
             gam_ref, bet_ref, out_ref):
    cnt = cnt_ref[...]
    proj = lax.dot_general(ent_ref[...], wt_ref[...],
                           (((1,), (1,)), ((), ())),
                           preferred_element_type=F32)
    possum = jnp.dot(cnt, pos_ref[...], preferred_element_type=F32)
    n = jnp.sum(cnt, axis=-1, keepdims=True)
    pos = possum / jnp.maximum(n, 1e-7)
    t0 = type_ref[0:1, :]
    t1 = type_ref[1:2, :]
    tok = t0 + tt_ref[...].astype(F32) * (t1 - t0)
    emb = proj + pos + tok
    mu = jnp.mean(emb, axis=-1, keepdims=True)
    d = emb - mu
    var = jnp.mean(d * d, axis=-1, keepdims=True)
    out_ref[...] = d * lax.rsqrt(var + LN_EPS) * gam_ref[...] + bet_ref[...]


def _tc_call(ent, cnt, tti, wt, pos_table, type_table, gamma, beta):
    return pl.pallas_call(
        _tc_body,
        grid=(B // BLK,),
        in_specs=[
            pl.BlockSpec((BLK, EMB), lambda i: (i, 0)),
            pl.BlockSpec((BLK, NPOS), lambda i: (i, 0)),
            pl.BlockSpec((BLK, 1), lambda i: (i, 0)),
            pl.BlockSpec((HID, EMB), lambda i: (0, 0)),
            pl.BlockSpec((NPOS, HID), lambda i: (0, 0)),
            pl.BlockSpec((2, HID), lambda i: (0, 0)),
            pl.BlockSpec((1, HID), lambda i: (0, 0)),
            pl.BlockSpec((1, HID), lambda i: (0, 0)),
        ],
        out_specs=pl.BlockSpec((BLK, HID), lambda i: (i, 0)),
        out_shape=jax.ShapeDtypeStruct((B, HID), F32),
    )(ent, cnt, tti, wt, pos_table, type_table, gamma, beta)


def kernel(entity_ids, position_ids, token_type_ids, entity_table, dense_W,
           pos_table, type_table, gamma, beta):
    tti = token_type_ids.reshape(B, 1)
    ent_rows, cnt = _sc_gather_counts_fn()(entity_table, entity_ids,
                                           position_ids)
    out = _tc_call(ent_rows, cnt, tti, dense_W,
                   pos_table, type_table,
                   gamma.reshape(1, HID), beta.reshape(1, HID))
    return out.reshape(16, 128, HID)

# --- scband reference (transcript-rebuilt; emitter-appended) ---
"""Pipeline reference for scband-entity-embeddings-17789754540298 (READ-ONLY COPY).

The authoritative reference and input builder live on the scoring server;
editing this copy changes nothing except your own understanding.
"""

import jax, jax.numpy as jnp
import numpy as np

VOCAB = 100000
EMB = 256
HID = 768
MAXPOS = 512
TYPES = 2
EPS = 1e-12


def setup_inputs(seed: int = 0) -> dict:
    key = jax.random.key(seed)
    ks = jax.random.split(key, 8)
    entity_ids = jax.random.randint(ks[0], (16, 128), 0, VOCAB)
    position_ids = jax.random.randint(ks[1], (16, 128, 30), 0, MAXPOS)
    token_type_ids = jax.random.randint(ks[2], (16, 128), 0, TYPES)
    entity_table = jax.random.normal(ks[3], (VOCAB, EMB), dtype=jnp.float32) * 0.02
    entity_table = entity_table.at[0].set(0.0)  # padding_idx=0
    dense_W = jax.random.normal(ks[4], (HID, EMB), dtype=jnp.float32) * 0.02
    pos_table = jax.random.normal(ks[5], (MAXPOS, HID), dtype=jnp.float32) * 0.02
    pos_table = pos_table.at[-1].set(0.0)  # padding_idx=-1
    type_table = jax.random.normal(ks[6], (TYPES, HID), dtype=jnp.float32) * 0.02
    gamma = jnp.ones((HID,), dtype=jnp.float32)
    beta = jnp.zeros((HID,), dtype=jnp.float32)
    return {
        "entity_ids": entity_ids,
        "position_ids": position_ids,
        "token_type_ids": token_type_ids,
        "entity_table": entity_table,
        "dense_W": dense_W,
        "pos_table": pos_table,
        "type_table": type_table,
        "gamma": gamma,
        "beta": beta,
    }


def reference(entity_ids, position_ids, token_type_ids, entity_table, dense_W, pos_table, type_table, gamma, beta):
    # entity embedding lookup + dense projection (entity_emb_size != hidden_size)
    ent = jnp.take(entity_table, entity_ids, axis=0)
    ent = ent @ dense_W.T
    # position embeddings: lookup clamped ids, mask -1 padding, mean-pool over mention span
    pos = jnp.take(pos_table, jnp.clip(position_ids, 0, None), axis=0)
    mask = (position_ids != -1).astype(pos.dtype)[..., None]
    pos = pos * mask
    pos = jnp.sum(pos, axis=-2)
    pos = pos / jnp.clip(jnp.sum(mask, axis=-2), 1e-07, None)
    # token type embeddings
    tok = jnp.take(type_table, token_type_ids, axis=0)
    emb = ent + pos + tok
    # LayerNorm over last dim
    mu = jnp.mean(emb, axis=-1, keepdims=True)
    var = jnp.mean((emb - mu) ** 2, axis=-1, keepdims=True)
    out = (emb - mu) / jnp.sqrt(var + EPS) * gamma + beta
    # dropout is identity in eval mode
    return out

if __name__ == "__main__":
    import jax
    _d = setup_inputs()
    print(jax.jit(kernel)(*tuple(_d.values())))

</pallas_src>

<mosaic_0001>
#map = affine_map<(d0, d1) -> (0, 0)>
#map1 = affine_map<(d0, d1) -> (0, 0, 0)>
module attributes {stable_mosaic.version = 14 : i64} {
  func.func @_sc_gather_counts(%arg0: i32, %arg1: i32, %arg2: memref<100000x256xf32, #tpu.memory_space<hbm>>, %arg3: memref<16x128xi32, #tpu.memory_space<hbm>>, %arg4: memref<16x128x30xi32, #tpu.memory_space<hbm>>, %arg5: memref<2048x256xf32, #tpu.memory_space<hbm>>, %arg6: memref<2048x512xf32, #tpu.memory_space<hbm>>, %arg7: memref<64xi32, #tpu.memory_space<vmem>>, %arg8: memref<64x256xf32, #tpu.memory_space<vmem>>, %arg9: memref<64x30xi32, #tpu.memory_space<vmem>>, %arg10: memref<64x512xf32, #tpu.memory_space<vmem>>, %arg11: memref<!tpu.dma_semaphore, #tpu.memory_space<semaphore_mem>>, %arg12: memref<!tpu.dma_semaphore, #tpu.memory_space<semaphore_mem>>) attributes {dimension_semantics = [#tpu.dimension_semantics<core_parallel>, #tpu.dimension_semantics<subcore_parallel>], iteration_bounds = array<i64: 2, 16>, scalar_prefetch = 0 : i64, scratch_operands = 6 : i64, tpu.core_type = #tpu.core_type<sc_vector_subcore>, window_params = [{transform_indices = #map}, {transform_indices = #map}, {transform_indices = #map1}, {transform_indices = #map}, {transform_indices = #map}]} {
    %mul3A = arith.constant 2 : i32
    %mul3A_0 = arith.muli %arg1, %mul3A : i32
    %add3A = arith.addi %mul3A_0, %arg0 : i32
    %mul3A_1 = arith.constant 64 : i32
    %mul3A_2 = arith.muli %add3A, %mul3A_1 : i32
    %jit3A = arith.constant 2 : i32
    %div3A = arith.divsi %add3A, %jit3A : i32
    %sign3A = arith.constant 0 : i32
    %sign3A_3 = arith.cmpi sgt, %add3A, %sign3A : i32
    %sign3A_4 = arith.extui %sign3A_3 : i1 to i32
    %sign3A_5 = arith.constant 0 : i32
    %sign3A_6 = arith.cmpi slt, %add3A, %sign3A_5 : i32
    %sign3A_7 = arith.extui %sign3A_6 : i1 to i32
    %sign3A_8 = arith.subi %sign3A_4, %sign3A_7 : i32
    %sign3A_9 = arith.constant 0 : i32
    %sign3A_10 = arith.cmpi sgt, %jit3A, %sign3A_9 : i32
    %sign3A_11 = arith.extui %sign3A_10 : i1 to i32
    %sign3A_12 = arith.constant 0 : i32
    %sign3A_13 = arith.cmpi slt, %jit3A, %sign3A_12 : i32
    %sign3A_14 = arith.extui %sign3A_13 : i1 to i32
    %sign3A_15 = arith.subi %sign3A_11, %sign3A_14 : i32
    %ne3A = arith.cmpi ne, %sign3A_8, %sign3A_15 : i32
    %rem3A = arith.remsi %add3A, %jit3A : i32
    %ne3A_16 = arith.constant 0 : i32
    %ne3A_17 = arith.cmpi ne, %rem3A, %ne3A_16 : i32
    %and3A = arith.andi %ne3A, %ne3A_17 : i1
    %sub3A = arith.constant 1 : i32
    %sub3A_18 = arith.subi %div3A, %sub3A : i32
    %select_n3A = arith.select %and3A, %sub3A_18, %div3A : i32
    %jit3A_19 = arith.constant 2 : i32
    %eq3A = arith.constant 0 : i32
    %eq3A_20 = arith.cmpi eq, %jit3A_19, %eq3A : i32
    %jit3A_21 = arith.constant 1 : i32
    %select_n3A_22 = arith.select %eq3A_20, %jit3A_21, %jit3A_19 : i32
    %rem3A_23 = arith.remsi %add3A, %select_n3A_22 : i32
    %ne3A_24 = arith.constant 0 : i32
    %ne3A_25 = arith.cmpi ne, %rem3A_23, %ne3A_24 : i32
    %lt3A = arith.constant 0 : i32
    %lt3A_26 = arith.cmpi slt, %rem3A_23, %lt3A : i32
    %lt3A_27 = arith.constant 0 : i32
    %lt3A_28 = arith.cmpi slt, %select_n3A_22, %lt3A_27 : i32
    %ne3A_29 = arith.xori %lt3A_26, %lt3A_28 : i1
    %and3A_30 = arith.andi %ne3A_29, %ne3A_25 : i1
    %add3A_31 = arith.addi %rem3A_23, %select_n3A_22 : i32
    %select_n3A_32 = arith.select %and3A_30, %add3A_31, %rem3A_23 : i32
    %mul3A_33 = arith.constant 64 : i32
    %mul3A_34 = arith.muli %select_n3A_32, %mul3A_33 : i32
    "tpu.region"() ({
      %run_scoped3A = tpu.sem_alloc : memref<!tpu.dma_semaphore, #tpu.memory_space<semaphore_mem>>
      %dma_start3A_221 = tpu.memref_slice %arg3[%select_n3A, %mul3A_34] : memref<16x128xi32, #tpu.memory_space<hbm>> -> memref<1x64xi32, #tpu.memory_space<hbm>>
      %dma_start3A_222 = tpu.memref_squeeze %dma_start3A_221 : memref<1x64xi32, #tpu.memory_space<hbm>> -> memref<64xi32, #tpu.memory_space<hbm>>
      %dma_start3A_223 = tpu.memref_slice %arg3[%select_n3A, %mul3A_34] : memref<16x128xi32, #tpu.memory_space<hbm>> -> memref<1x64xi32, #tpu.memory_space<hbm>>
      %dma_start3A_224 = tpu.memref_squeeze %dma_start3A_223 : memref<1x64xi32, #tpu.memory_space<hbm>> -> memref<64xi32, #tpu.memory_space<hbm>>
      tpu.enqueue_dma source(%dma_start3A_224 : memref<64xi32, #tpu.memory_space<hbm>>) target(%arg7 : memref<64xi32, #tpu.memory_space<vmem>>) target_semaphore(%run_scoped3A : memref<!tpu.dma_semaphore, #tpu.memory_space<semaphore_mem>>)
      %dma_wait3A_225 = tpu.memref_slice %arg3[%select_n3A, %mul3A_34] : memref<16x128xi32, #tpu.memory_space<hbm>> -> memref<1x64xi32, #tpu.memory_space<hbm>>
      %dma_wait3A_226 = tpu.memref_squeeze %dma_wait3A_225 : memref<1x64xi32, #tpu.memory_space<hbm>> -> memref<64xi32, #tpu.memory_space<hbm>>
      %dma_wait3A_227 = tpu.memref_slice %arg3[%select_n3A, %mul3A_34] : memref<16x128xi32, #tpu.memory_space<hbm>> -> memref<1x64xi32, #tpu.memory_space<hbm>>
      %dma_wait3A_228 = tpu.memref_squeeze %dma_wait3A_227 : memref<1x64xi32, #tpu.memory_space<hbm>> -> memref<64xi32, #tpu.memory_space<hbm>>
      tpu.wait_dma2 semaphore(%run_scoped3A : memref<!tpu.dma_semaphore, #tpu.memory_space<semaphore_mem>>) src(%dma_wait3A_228 : memref<64xi32, #tpu.memory_space<hbm>>) dst(%arg7 : memref<64xi32, #tpu.memory_space<vmem>>)
      tpu.yield
    }) : () -> ()
    %dma_start3A = arith.constant 0 : i32
    %dma_start3A_35 = arith.constant 0 : i32
    %dma_start3A_36 = tpu.memref_slice %arg2[%dma_start3A, %dma_start3A_35] : memref<100000x256xf32, #tpu.memory_space<hbm>> -> memref<100000x256xf32, #tpu.memory_space<hbm>>
    tpu.enqueue_indirect_dma source(%dma_start3A_36 : memref<100000x256xf32, #tpu.memory_space<hbm>>) target(%arg8 : memref<64x256xf32, #tpu.memory_space<vmem>>) offsets(%arg7 : memref<64xi32, #tpu.memory_space<vmem>>) semaphore(%arg11 : memref<!tpu.dma_semaphore, #tpu.memory_space<semaphore_mem>>)
    %jit3A_37 = arith.constant 2 : i32
    %div3A_38 = arith.divsi %add3A, %jit3A_37 : i32
    %sign3A_39 = arith.constant 0 : i32
    %sign3A_40 = arith.cmpi sgt, %add3A, %sign3A_39 : i32
    %sign3A_41 = arith.extui %sign3A_40 : i1 to i32
    %sign3A_42 = arith.constant 0 : i32
    %sign3A_43 = arith.cmpi slt, %add3A, %sign3A_42 : i32
    %sign3A_44 = arith.extui %sign3A_43 : i1 to i32
    %sign3A_45 = arith.subi %sign3A_41, %sign3A_44 : i32
    %sign3A_46 = arith.constant 0 : i32
    %sign3A_47 = arith.cmpi sgt, %jit3A_37, %sign3A_46 : i32
    %sign3A_48 = arith.extui %sign3A_47 : i1 to i32
    %sign3A_49 = arith.constant 0 : i32
    %sign3A_50 = arith.cmpi slt, %jit3A_37, %sign3A_49 : i32
    %sign3A_51 = arith.extui %sign3A_50 : i1 to i32
    %sign3A_52 = arith.subi %sign3A_48, %sign3A_51 : i32
    %ne3A_53 = arith.cmpi ne, %sign3A_45, %sign3A_52 : i32
    %rem3A_54 = arith.remsi %add3A, %jit3A_37 : i32
    %ne3A_55 = arith.constant 0 : i32
    %ne3A_56 = arith.cmpi ne, %rem3A_54, %ne3A_55 : i32
    %and3A_57 = arith.andi %ne3A_53, %ne3A_56 : i1
    %sub3A_58 = arith.constant 1 : i32
    %sub3A_59 = arith.subi %div3A_38, %sub3A_58 : i32
    %select_n3A_60 = arith.select %and3A_57, %sub3A_59, %div3A_38 : i32
    %jit3A_61 = arith.constant 2 : i32
    %eq3A_62 = arith.constant 0 : i32
    %eq3A_63 = arith.cmpi eq, %jit3A_61, %eq3A_62 : i32
    %jit3A_64 = arith.constant 1 : i32
    %select_n3A_65 = arith.select %eq3A_63, %jit3A_64, %jit3A_61 : i32
    %rem3A_66 = arith.remsi %add3A, %select_n3A_65 : i32
    %ne3A_67 = arith.constant 0 : i32
    %ne3A_68 = arith.cmpi ne, %rem3A_66, %ne3A_67 : i32
    %lt3A_69 = arith.constant 0 : i32
    %lt3A_70 = arith.cmpi slt, %rem3A_66, %lt3A_69 : i32
    %lt3A_71 = arith.constant 0 : i32
    %lt3A_72 = arith.cmpi slt, %select_n3A_65, %lt3A_71 : i32
    %ne3A_73 = arith.xori %lt3A_70, %lt3A_72 : i1
    %and3A_74 = arith.andi %ne3A_73, %ne3A_68 : i1
    %add3A_75 = arith.addi %rem3A_66, %select_n3A_65 : i32
    %select_n3A_76 = arith.select %and3A_74, %add3A_75, %rem3A_66 : i32
    %mul3A_77 = arith.constant 64 : i32
    %mul3A_78 = arith.muli %select_n3A_76, %mul3A_77 : i32
    %dma_start3A_79 = arith.constant 0 : i32
    %dma_start3A_80 = tpu.memref_slice %arg4[%select_n3A_60, %mul3A_78, %dma_start3A_79] : memref<16x128x30xi32, #tpu.memory_space<hbm>> -> memref<1x64x30xi32, #tpu.memory_space<hbm>>
    %dma_start3A_81 = tpu.memref_squeeze %dma_start3A_80 : memref<1x64x30xi32, #tpu.memory_space<hbm>> -> memref<64x30xi32, #tpu.memory_space<hbm>>
    %dma_start3A_82 = arith.constant 0 : i32
    %dma_start3A_83 = tpu.memref_slice %arg4[%select_n3A_60, %mul3A_78, %dma_start3A_82] : memref<16x128x30xi32, #tpu.memory_space<hbm>> -> memref<1x64x30xi32, #tpu.memory_space<hbm>>
    %dma_start3A_84 = tpu.memref_squeeze %dma_start3A_83 : memref<1x64x30xi32, #tpu.memory_space<hbm>> -> memref<64x30xi32, #tpu.memory_space<hbm>>
    tpu.enqueue_dma source(%dma_start3A_84 : memref<64x30xi32, #tpu.memory_space<hbm>>) target(%arg9 : memref<64x30xi32, #tpu.memory_space<vmem>>) target_semaphore(%arg12 : memref<!tpu.dma_semaphore, #tpu.memory_space<semaphore_mem>>)
    %broadcast_in_dim3A = arith.constant 0.000000e+00 : f32
    %broadcast_in_dim3A_85 = vector.broadcast %broadcast_in_dim3A : f32 to vector<16xf32>
    %broadcast_in_dim3A_86 = arith.constant 1.000000e+00 : f32
    %broadcast_in_dim3A_87 = vector.broadcast %broadcast_in_dim3A_86 : f32 to vector<16xf32>
    %iota3A = tpu.iota {dimensions = array<i32: 0>} : vector<16xi32>
    %scan3A = arith.constant 0 : i32
    %scan3A_88 = arith.constant 0 : i32
    %scan3A_89 = arith.constant 512 : i32
    %scan3A_90 = arith.addi %scan3A_88, %scan3A_89 : i32
    %scan3A_91 = arith.constant 1 : i32
    scf.for %scan3A_221 = %scan3A_88 to %scan3A_90 step %scan3A_91  : i32 {
      %jit3A_222 = arith.constant 8 : i32
      %div3A_223 = arith.divsi %scan3A_221, %jit3A_222 : i32
      %sign3A_224 = arith.constant 0 : i32
      %sign3A_225 = arith.cmpi sgt, %scan3A_221, %sign3A_224 : i32
      %sign3A_226 = arith.extui %sign3A_225 : i1 to i32
      %sign3A_227 = arith.constant 0 : i32
      %sign3A_228 = arith.cmpi slt, %scan3A_221, %sign3A_227 : i32
      %sign3A_229 = arith.extui %sign3A_228 : i1 to i32
      %sign3A_230 = arith.subi %sign3A_226, %sign3A_229 : i32
      %sign3A_231 = arith.constant 0 : i32
      %sign3A_232 = arith.cmpi sgt, %jit3A_222, %sign3A_231 : i32
      %sign3A_233 = arith.extui %sign3A_232 : i1 to i32
      %sign3A_234 = arith.constant 0 : i32
      %sign3A_235 = arith.cmpi slt, %jit3A_222, %sign3A_234 : i32
      %sign3A_236 = arith.extui %sign3A_235 : i1 to i32
      %sign3A_237 = arith.subi %sign3A_233, %sign3A_236 : i32
      %ne3A_238 = arith.cmpi ne, %sign3A_230, %sign3A_237 : i32
      %rem3A_239 = arith.remsi %scan3A_221, %jit3A_222 : i32
      %ne3A_240 = arith.constant 0 : i32
      %ne3A_241 = arith.cmpi ne, %rem3A_239, %ne3A_240 : i32
      %and3A_242 = arith.andi %ne3A_238, %ne3A_241 : i1
      %sub3A_243 = arith.constant 1 : i32
      %sub3A_244 = arith.subi %div3A_223, %sub3A_243 : i32
      %select_n3A_245 = arith.select %and3A_242, %sub3A_244, %div3A_223 : i32
      %jit3A_246 = arith.constant 8 : i32
      %eq3A_247 = arith.constant 0 : i32
      %eq3A_248 = arith.cmpi eq, %jit3A_246, %eq3A_247 : i32
      %jit3A_249 = arith.constant 1 : i32
      %select_n3A_250 = arith.select %eq3A_248, %jit3A_249, %jit3A_246 : i32
      %rem3A_251 = arith.remsi %scan3A_221, %select_n3A_250 : i32
      %ne3A_252 = arith.constant 0 : i32
      %ne3A_253 = arith.cmpi ne, %rem3A_251, %ne3A_252 : i32
      %lt3A_254 = arith.constant 0 : i32
      %lt3A_255 = arith.cmpi slt, %rem3A_251, %lt3A_254 : i32
      %lt3A_256 = arith.constant 0 : i32
      %lt3A_257 = arith.cmpi slt, %select_n3A_250, %lt3A_256 : i32
      %ne3A_258 = arith.xori %lt3A_255, %lt3A_257 : i1
      %and3A_259 = arith.andi %ne3A_258, %ne3A_253 : i1
      %add3A_260 = arith.addi %rem3A_251, %select_n3A_250 : i32
      %select_n3A_261 = arith.select %and3A_259, %add3A_260, %rem3A_251 : i32
      %mul3A_262 = arith.constant 64 : i32
      %mul3A_263 = arith.muli %select_n3A_261, %mul3A_262 : i32
      %add3A_264 = arith.constant 0 : i32
      %add3A_265 = arith.addi %mul3A_263, %add3A_264 : i32
      %swap3A = arith.index_cast %select_n3A_245 : i32 to index
      %swap3A_266 = arith.index_cast %add3A_265 : i32 to index
      %swap3A_267 = tpu.vector_load %arg10[%swap3A, %swap3A_266] {strides = array<i32>} : memref<64x512xf32, #tpu.memory_space<vmem>>, vector<16xf32>,
      tpu.vector_store %arg10[%swap3A, %swap3A_266], %broadcast_in_dim3A_85 {strides = array<i32>} : memref<64x512xf32, #tpu.memory_space<vmem>>, vector<16xf32>,
      %mul3A_268 = arith.constant 64 : i32
      %mul3A_269 = arith.muli %select_n3A_261, %mul3A_268 : i32
      %add3A_270 = arith.constant 16 : i32
      %add3A_271 = arith.addi %mul3A_269, %add3A_270 : i32
      %swap3A_272 = arith.index_cast %select_n3A_245 : i32 to index
      %swap3A_273 = arith.index_cast %add3A_271 : i32 to index
      %swap3A_274 = tpu.vector_load %arg10[%swap3A_272, %swap3A_273] {strides = array<i32>} : memref<64x512xf32, #tpu.memory_space<vmem>>, vector<16xf32>,
      tpu.vector_store %arg10[%swap3A_272, %swap3A_273], %broadcast_in_dim3A_85 {strides = array<i32>} : memref<64x512xf32, #tpu.memory_space<vmem>>, vector<16xf32>,
      %mul3A_275 = arith.constant 64 : i32
      %mul3A_276 = arith.muli %select_n3A_261, %mul3A_275 : i32
      %add3A_277 = arith.constant 32 : i32
      %add3A_278 = arith.addi %mul3A_276, %add3A_277 : i32
      %swap3A_279 = arith.index_cast %select_n3A_245 : i32 to index
      %swap3A_280 = arith.index_cast %add3A_278 : i32 to index
      %swap3A_281 = tpu.vector_load %arg10[%swap3A_279, %swap3A_280] {strides = array<i32>} : memref<64x512xf32, #tpu.memory_space<vmem>>, vector<16xf32>,
      tpu.vector_store %arg10[%swap3A_279, %swap3A_280], %broadcast_in_dim3A_85 {strides = array<i32>} : memref<64x512xf32, #tpu.memory_space<vmem>>, vector<16xf32>,
      %mul3A_282 = arith.constant 64 : i32
      %mul3A_283 = arith.muli %select_n3A_261, %mul3A_282 : i32
      %add3A_284 = arith.constant 48 : i32
      %add3A_285 = arith.addi %mul3A_283, %add3A_284 : i32
      %swap3A_286 = arith.index_cast %select_n3A_245 : i32 to index
      %swap3A_287 = arith.index_cast %add3A_285 : i32 to index
      %swap3A_288 = tpu.vector_load %arg10[%swap3A_286, %swap3A_287] {strides = array<i32>} : memref<64x512xf32, #tpu.memory_space<vmem>>, vector<16xf32>,
      tpu.vector_store %arg10[%swap3A_286, %swap3A_287], %broadcast_in_dim3A_85 {strides = array<i32>} : memref<64x512xf32, #tpu.memory_space<vmem>>, vector<16xf32>,
    }
    %scan3A_92 = arith.constant 512 : i32
    %dma_wait3A = arith.constant 0 : i32
    %dma_wait3A_93 = tpu.memref_slice %arg4[%select_n3A_60, %mul3A_78, %dma_wait3A] : memref<16x128x30xi32, #tpu.memory_space<hbm>> -> memref<1x64x30xi32, #tpu.memory_space<hbm>>
    %dma_wait3A_94 = tpu.memref_squeeze %dma_wait3A_93 : memref<1x64x30xi32, #tpu.memory_space<hbm>> -> memref<64x30xi32, #tpu.memory_space<hbm>>
    %dma_wait3A_95 = arith.constant 0 : i32
    %dma_wait3A_96 = tpu.memref_slice %arg4[%select_n3A_60, %mul3A_78, %dma_wait3A_95] : memref<16x128x30xi32, #tpu.memory_space<hbm>> -> memref<1x64x30xi32, #tpu.memory_space<hbm>>
    %dma_wait3A_97 = tpu.memref_squeeze %dma_wait3A_96 : memref<1x64x30xi32, #tpu.memory_space<hbm>> -> memref<64x30xi32, #tpu.memory_space<hbm>>
    tpu.wait_dma2 semaphore(%arg12 : memref<!tpu.dma_semaphore, #tpu.memory_space<semaphore_mem>>) src(%dma_wait3A_97 : memref<64x30xi32, #tpu.memory_space<hbm>>) dst(%arg9 : memref<64x30xi32, #tpu.memory_space<vmem>>)
    %dma_wait3A_98 = arith.constant 0 : i32
    %dma_wait3A_99 = arith.constant 0 : i32
    %dma_wait3A_100 = tpu.memref_slice %arg2[%dma_wait3A_98, %dma_wait3A_99] : memref<100000x256xf32, #tpu.memory_space<hbm>> -> memref<100000x256xf32, #tpu.memory_space<hbm>>
    tpu.wait_indirect_dma semaphore(%arg11 : memref<!tpu.dma_semaphore, #tpu.memory_space<semaphore_mem>>) src(%dma_wait3A_100 : memref<100000x256xf32, #tpu.memory_space<hbm>>) dst(%arg8 : memref<64x256xf32, #tpu.memory_space<vmem>>)
    %dma_start3A_101 = arith.constant 0 : i32
    %dma_start3A_102 = tpu.memref_slice %arg5[%mul3A_2, %dma_start3A_101] : memref<2048x256xf32, #tpu.memory_space<hbm>> -> memref<64x256xf32, #tpu.memory_space<hbm>>
    %dma_start3A_103 = arith.constant 0 : i32
    %dma_start3A_104 = tpu.memref_slice %arg5[%mul3A_2, %dma_start3A_103] : memref<2048x256xf32, #tpu.memory_space<hbm>> -> memref<64x256xf32, #tpu.memory_space<hbm>>
    tpu.enqueue_dma source(%arg8 : memref<64x256xf32, #tpu.memory_space<vmem>>) target(%dma_start3A_104 : memref<64x256xf32, #tpu.memory_space<hbm>>) target_semaphore(%arg11 : memref<!tpu.dma_semaphore, #tpu.memory_space<semaphore_mem>>)
    %scan3A_105 = arith.constant 0 : i32
    %scan3A_106 = arith.constant 0 : i32
    %scan3A_107 = arith.constant 16 : i32
    %scan3A_108 = arith.addi %scan3A_106, %scan3A_107 : i32
    %scan3A_109 = arith.constant 1 : i32
    scf.for %scan3A_221 = %scan3A_106 to %scan3A_108 step %scan3A_109  : i32 {
      %get3A = arith.index_cast %scan3A_221 : i32 to index
      %get3A_222 = arith.constant 0 : index
      %get3A_223 = tpu.vector_load %arg9[%get3A, %get3A_222] {strides = array<i32>} : memref<64x30xi32, #tpu.memory_space<vmem>>, vector<16xi32>,
      %get3A_224 = arith.index_cast %scan3A_221 : i32 to index
      %get3A_225 = arith.constant 14 : index
      %get3A_226 = tpu.vector_load %arg9[%get3A_224, %get3A_225] {strides = array<i32>} : memref<64x30xi32, #tpu.memory_space<vmem>>, vector<16xi32>,
      %ge3A = arith.constant 0 : i32
      %ge3A_227 = vector.broadcast %ge3A : i32 to vector<16xi32>
      %ge3A_228 = arith.cmpi sge, %get3A_223, %ge3A_227 : vector<16xi32>
      %ge3A_229 = arith.constant 0 : i32
      %ge3A_230 = vector.broadcast %ge3A_229 : i32 to vector<16xi32>
      %ge3A_231 = arith.cmpi sge, %get3A_226, %ge3A_230 : vector<16xi32>
      %ge3A_232 = arith.constant 2 : i32
      %ge3A_233 = vector.broadcast %ge3A_232 : i32 to vector<16xi32>
      %ge3A_234 = arith.cmpi sge, %iota3A, %ge3A_233 : vector<16xi32>
      %and3A_235 = arith.andi %ge3A_231, %ge3A_234 : vector<16xi1>
      %broadcast_in_dim3A_236 = arith.constant 0 : i32
      %broadcast_in_dim3A_237 = vector.broadcast %broadcast_in_dim3A_236 : i32 to vector<16xi32>
      %add3A_238 = vector.broadcast %scan3A_221 : i32 to vector<16xi32>
      %add3A_239 = arith.addi %broadcast_in_dim3A_237, %add3A_238 : vector<16xi32>
      tpu.vector_store_idx %arg10[%add3A_239, %get3A_223], %broadcast_in_dim3A_87 masked %ge3A_228 {add = true} : memref<64x512xf32, #tpu.memory_space<vmem>>[vector<16xi32>, vector<16xi32>], vector<16xf32>, vector<16xi1>
      tpu.vector_store_idx %arg10[%add3A_239, %get3A_226], %broadcast_in_dim3A_87 masked %and3A_235 {add = true} : memref<64x512xf32, #tpu.memory_space<vmem>>[vector<16xi32>, vector<16xi32>], vector<16xf32>, vector<16xi1>
    }
    %scan3A_110 = arith.constant 16 : i32
    %add3A_111 = arith.constant 0 : i32
    %add3A_112 = arith.addi %mul3A_2, %add3A_111 : i32
    %dma_start3A_113 = arith.constant 0 : i32
    %dma_start3A_114 = arith.constant 0 : i32
    %dma_start3A_115 = tpu.memref_slice %arg10[%dma_start3A_113, %dma_start3A_114] : memref<64x512xf32, #tpu.memory_space<vmem>> -> memref<16x512xf32, #tpu.memory_space<vmem>>
    %dma_start3A_116 = arith.constant 0 : i32
    %dma_start3A_117 = tpu.memref_slice %arg6[%add3A_112, %dma_start3A_116] : memref<2048x512xf32, #tpu.memory_space<hbm>> -> memref<16x512xf32, #tpu.memory_space<hbm>>
    %dma_start3A_118 = arith.constant 0 : i32
    %dma_start3A_119 = tpu.memref_slice %arg6[%add3A_112, %dma_start3A_118] : memref<2048x512xf32, #tpu.memory_space<hbm>> -> memref<16x512xf32, #tpu.memory_space<hbm>>
    %dma_start3A_120 = arith.constant 0 : i32
    %dma_start3A_121 = arith.constant 0 : i32
    %dma_start3A_122 = tpu.memref_slice %arg10[%dma_start3A_120, %dma_start3A_121] : memref<64x512xf32, #tpu.memory_space<vmem>> -> memref<16x512xf32, #tpu.memory_space<vmem>>
    tpu.enqueue_dma source(%dma_start3A_122 : memref<16x512xf32, #tpu.memory_space<vmem>>) target(%dma_start3A_119 : memref<16x512xf32, #tpu.memory_space<hbm>>) target_semaphore(%arg12 : memref<!tpu.dma_semaphore, #tpu.memory_space<semaphore_mem>>)
    %scan3A_123 = arith.constant 0 : i32
    %scan3A_124 = arith.constant 16 : i32
    %scan3A_125 = arith.constant 16 : i32
    %scan3A_126 = arith.addi %scan3A_124, %scan3A_125 : i32
    %scan3A_127 = arith.constant 1 : i32
    scf.for %scan3A_221 = %scan3A_124 to %scan3A_126 step %scan3A_127  : i32 {
      %get3A = arith.index_cast %scan3A_221 : i32 to index
      %get3A_222 = arith.constant 0 : index
      %get3A_223 = tpu.vector_load %arg9[%get3A, %get3A_222] {strides = array<i32>} : memref<64x30xi32, #tpu.memory_space<vmem>>, vector<16xi32>,
      %get3A_224 = arith.index_cast %scan3A_221 : i32 to index
      %get3A_225 = arith.constant 14 : index
      %get3A_226 = tpu.vector_load %arg9[%get3A_224, %get3A_225] {strides = array<i32>} : memref<64x30xi32, #tpu.memory_space<vmem>>, vector<16xi32>,
      %ge3A = arith.constant 0 : i32
      %ge3A_227 = vector.broadcast %ge3A : i32 to vector<16xi32>
      %ge3A_228 = arith.cmpi sge, %get3A_223, %ge3A_227 : vector<16xi32>
      %ge3A_229 = arith.constant 0 : i32
      %ge3A_230 = vector.broadcast %ge3A_229 : i32 to vector<16xi32>
      %ge3A_231 = arith.cmpi sge, %get3A_226, %ge3A_230 : vector<16xi32>
      %ge3A_232 = arith.constant 2 : i32
      %ge3A_233 = vector.broadcast %ge3A_232 : i32 to vector<16xi32>
      %ge3A_234 = arith.cmpi sge, %iota3A, %ge3A_233 : vector<16xi32>
      %and3A_235 = arith.andi %ge3A_231, %ge3A_234 : vector<16xi1>
      %broadcast_in_dim3A_236 = arith.constant 0 : i32
      %broadcast_in_dim3A_237 = vector.broadcast %broadcast_in_dim3A_236 : i32 to vector<16xi32>
      %add3A_238 = vector.broadcast %scan3A_221 : i32 to vector<16xi32>
      %add3A_239 = arith.addi %broadcast_in_dim3A_237, %add3A_238 : vector<16xi32>
      tpu.vector_store_idx %arg10[%add3A_239, %get3A_223], %broadcast_in_dim3A_87 masked %ge3A_228 {add = true} : memref<64x512xf32, #tpu.memory_space<vmem>>[vector<16xi32>, vector<16xi32>], vector<16xf32>, vector<16xi1>
      tpu.vector_store_idx %arg10[%add3A_239, %get3A_226], %broadcast_in_dim3A_87 masked %and3A_235 {add = true} : memref<64x512xf32, #tpu.memory_space<vmem>>[vector<16xi32>, vector<16xi32>], vector<16xf32>, vector<16xi1>
    }
    %scan3A_128 = arith.constant 16 : i32
    %add3A_129 = arith.constant 16 : i32
    %add3A_130 = arith.addi %mul3A_2, %add3A_129 : i32
    %dma_start3A_131 = arith.constant 16 : i32
    %dma_start3A_132 = arith.constant 0 : i32
    %dma_start3A_133 = tpu.memref_slice %arg10[%dma_start3A_131, %dma_start3A_132] : memref<64x512xf32, #tpu.memory_space<vmem>> -> memref<16x512xf32, #tpu.memory_space<vmem>>
    %dma_start3A_134 = arith.constant 0 : i32
    %dma_start3A_135 = tpu.memref_slice %arg6[%add3A_130, %dma_start3A_134] : memref<2048x512xf32, #tpu.memory_space<hbm>> -> memref<16x512xf32, #tpu.memory_space<hbm>>
    %dma_start3A_136 = arith.constant 0 : i32
    %dma_start3A_137 = tpu.memref_slice %arg6[%add3A_130, %dma_start3A_136] : memref<2048x512xf32, #tpu.memory_space<hbm>> -> memref<16x512xf32, #tpu.memory_space<hbm>>
    %dma_start3A_138 = arith.constant 16 : i32
    %dma_start3A_139 = arith.constant 0 : i32
    %dma_start3A_140 = tpu.memref_slice %arg10[%dma_start3A_138, %dma_start3A_139] : memref<64x512xf32, #tpu.memory_space<vmem>> -> memref<16x512xf32, #tpu.memory_space<vmem>>
    tpu.enqueue_dma source(%dma_start3A_140 : memref<16x512xf32, #tpu.memory_space<vmem>>) target(%dma_start3A_137 : memref<16x512xf32, #tpu.memory_space<hbm>>) target_semaphore(%arg12 : memref<!tpu.dma_semaphore, #tpu.memory_space<semaphore_mem>>)
    %scan3A_141 = arith.constant 0 : i32
    %scan3A_142 = arith.constant 32 : i32
    %scan3A_143 = arith.constant 16 : i32
    %scan3A_144 = arith.addi %scan3A_142, %scan3A_143 : i32
    %scan3A_145 = arith.constant 1 : i32
    scf.for %scan3A_221 = %scan3A_142 to %scan3A_144 step %scan3A_145  : i32 {
      %get3A = arith.index_cast %scan3A_221 : i32 to index
      %get3A_222 = arith.constant 0 : index
      %get3A_223 = tpu.vector_load %arg9[%get3A, %get3A_222] {strides = array<i32>} : memref<64x30xi32, #tpu.memory_space<vmem>>, vector<16xi32>,
      %get3A_224 = arith.index_cast %scan3A_221 : i32 to index
      %get3A_225 = arith.constant 14 : index
      %get3A_226 = tpu.vector_load %arg9[%get3A_224, %get3A_225] {strides = array<i32>} : memref<64x30xi32, #tpu.memory_space<vmem>>, vector<16xi32>,
      %ge3A = arith.constant 0 : i32
      %ge3A_227 = vector.broadcast %ge3A : i32 to vector<16xi32>
      %ge3A_228 = arith.cmpi sge, %get3A_223, %ge3A_227 : vector<16xi32>
      %ge3A_229 = arith.constant 0 : i32
      %ge3A_230 = vector.broadcast %ge3A_229 : i32 to vector<16xi32>
      %ge3A_231 = arith.cmpi sge, %get3A_226, %ge3A_230 : vector<16xi32>
      %ge3A_232 = arith.constant 2 : i32
      %ge3A_233 = vector.broadcast %ge3A_232 : i32 to vector<16xi32>
      %ge3A_234 = arith.cmpi sge, %iota3A, %ge3A_233 : vector<16xi32>
      %and3A_235 = arith.andi %ge3A_231, %ge3A_234 : vector<16xi1>
      %broadcast_in_dim3A_236 = arith.constant 0 : i32
      %broadcast_in_dim3A_237 = vector.broadcast %broadcast_in_dim3A_236 : i32 to vector<16xi32>
      %add3A_238 = vector.broadcast %scan3A_221 : i32 to vector<16xi32>
      %add3A_239 = arith.addi %broadcast_in_dim3A_237, %add3A_238 : vector<16xi32>
      tpu.vector_store_idx %arg10[%add3A_239, %get3A_223], %broadcast_in_dim3A_87 masked %ge3A_228 {add = true} : memref<64x512xf32, #tpu.memory_space<vmem>>[vector<16xi32>, vector<16xi32>], vector<16xf32>, vector<16xi1>
      tpu.vector_store_idx %arg10[%add3A_239, %get3A_226], %broadcast_in_dim3A_87 masked %and3A_235 {add = true} : memref<64x512xf32, #tpu.memory_space<vmem>>[vector<16xi32>, vector<16xi32>], vector<16xf32>, vector<16xi1>
    }
    %scan3A_146 = arith.constant 16 : i32
    %add3A_147 = arith.constant 32 : i32
    %add3A_148 = arith.addi %mul3A_2, %add3A_147 : i32
    %dma_start3A_149 = arith.constant 32 : i32
    %dma_start3A_150 = arith.constant 0 : i32
    %dma_start3A_151 = tpu.memref_slice %arg10[%dma_start3A_149, %dma_start3A_150] : memref<64x512xf32, #tpu.memory_space<vmem>> -> memref<16x512xf32, #tpu.memory_space<vmem>>
    %dma_start3A_152 = arith.constant 0 : i32
    %dma_start3A_153 = tpu.memref_slice %arg6[%add3A_148, %dma_start3A_152] : memref<2048x512xf32, #tpu.memory_space<hbm>> -> memref<16x512xf32, #tpu.memory_space<hbm>>
    %dma_start3A_154 = arith.constant 0 : i32
    %dma_start3A_155 = tpu.memref_slice %arg6[%add3A_148, %dma_start3A_154] : memref<2048x512xf32, #tpu.memory_space<hbm>> -> memref<16x512xf32, #tpu.memory_space<hbm>>
    %dma_start3A_156 = arith.constant 32 : i32
    %dma_start3A_157 = arith.constant 0 : i32
    %dma_start3A_158 = tpu.memref_slice %arg10[%dma_start3A_156, %dma_start3A_157] : memref<64x512xf32, #tpu.memory_space<vmem>> -> memref<16x512xf32, #tpu.memory_space<vmem>>
    tpu.enqueue_dma source(%dma_start3A_158 : memref<16x512xf32, #tpu.memory_space<vmem>>) target(%dma_start3A_155 : memref<16x512xf32, #tpu.memory_space<hbm>>) target_semaphore(%arg12 : memref<!tpu.dma_semaphore, #tpu.memory_space<semaphore_mem>>)
    %scan3A_159 = arith.constant 0 : i32
    %scan3A_160 = arith.constant 48 : i32
    %scan3A_161 = arith.constant 16 : i32
    %scan3A_162 = arith.addi %scan3A_160, %scan3A_161 : i32
    %scan3A_163 = arith.constant 1 : i32
    scf.for %scan3A_221 = %scan3A_160 to %scan3A_162 step %scan3A_163  : i32 {
      %get3A = arith.index_cast %scan3A_221 : i32 to index
      %get3A_222 = arith.constant 0 : index
      %get3A_223 = tpu.vector_load %arg9[%get3A, %get3A_222] {strides = array<i32>} : memref<64x30xi32, #tpu.memory_space<vmem>>, vector<16xi32>,
      %get3A_224 = arith.index_cast %scan3A_221 : i32 to index
      %get3A_225 = arith.constant 14 : index
      %get3A_226 = tpu.vector_load %arg9[%get3A_224, %get3A_225] {strides = array<i32>} : memref<64x30xi32, #tpu.memory_space<vmem>>, vector<16xi32>,
      %ge3A = arith.constant 0 : i32
      %ge3A_227 = vector.broadcast %ge3A : i32 to vector<16xi32>
      %ge3A_228 = arith.cmpi sge, %get3A_223, %ge3A_227 : vector<16xi32>
      %ge3A_229 = arith.constant 0 : i32
      %ge3A_230 = vector.broadcast %ge3A_229 : i32 to vector<16xi32>
      %ge3A_231 = arith.cmpi sge, %get3A_226, %ge3A_230 : vector<16xi32>
      %ge3A_232 = arith.constant 2 : i32
      %ge3A_233 = vector.broadcast %ge3A_232 : i32 to vector<16xi32>
      %ge3A_234 = arith.cmpi sge, %iota3A, %ge3A_233 : vector<16xi32>
      %and3A_235 = arith.andi %ge3A_231, %ge3A_234 : vector<16xi1>
      %broadcast_in_dim3A_236 = arith.constant 0 : i32
      %broadcast_in_dim3A_237 = vector.broadcast %broadcast_in_dim3A_236 : i32 to vector<16xi32>
      %add3A_238 = vector.broadcast %scan3A_221 : i32 to vector<16xi32>
      %add3A_239 = arith.addi %broadcast_in_dim3A_237, %add3A_238 : vector<16xi32>
      tpu.vector_store_idx %arg10[%add3A_239, %get3A_223], %broadcast_in_dim3A_87 masked %ge3A_228 {add = true} : memref<64x512xf32, #tpu.memory_space<vmem>>[vector<16xi32>, vector<16xi32>], vector<16xf32>, vector<16xi1>
      tpu.vector_store_idx %arg10[%add3A_239, %get3A_226], %broadcast_in_dim3A_87 masked %and3A_235 {add = true} : memref<64x512xf32, #tpu.memory_space<vmem>>[vector<16xi32>, vector<16xi32>], vector<16xf32>, vector<16xi1>
    }
    %scan3A_164 = arith.constant 16 : i32
    %add3A_165 = arith.constant 48 : i32
    %add3A_166 = arith.addi %mul3A_2, %add3A_165 : i32
    %dma_start3A_167 = arith.constant 48 : i32
    %dma_start3A_168 = arith.constant 0 : i32
    %dma_start3A_169 = tpu.memref_slice %arg10[%dma_start3A_167, %dma_start3A_168] : memref<64x512xf32, #tpu.memory_space<vmem>> -> memref<16x512xf32, #tpu.memory_space<vmem>>
    %dma_start3A_170 = arith.constant 0 : i32
    %dma_start3A_171 = tpu.memref_slice %arg6[%add3A_166, %dma_start3A_170] : memref<2048x512xf32, #tpu.memory_space<hbm>> -> memref<16x512xf32, #tpu.memory_space<hbm>>
    %dma_start3A_172 = arith.constant 0 : i32
    %dma_start3A_173 = tpu.memref_slice %arg6[%add3A_166, %dma_start3A_172] : memref<2048x512xf32, #tpu.memory_space<hbm>> -> memref<16x512xf32, #tpu.memory_space<hbm>>
    %dma_start3A_174 = arith.constant 48 : i32
    %dma_start3A_175 = arith.constant 0 : i32
    %dma_start3A_176 = tpu.memref_slice %arg10[%dma_start3A_174, %dma_start3A_175] : memref<64x512xf32, #tpu.memory_space<vmem>> -> memref<16x512xf32, #tpu.memory_space<vmem>>
    tpu.enqueue_dma source(%dma_start3A_176 : memref<16x512xf32, #tpu.memory_space<vmem>>) target(%dma_start3A_173 : memref<16x512xf32, #tpu.memory_space<hbm>>) target_semaphore(%arg12 : memref<!tpu.dma_semaphore, #tpu.memory_space<semaphore_mem>>)
    %dma_wait3A_177 = arith.constant 0 : i32
    %dma_wait3A_178 = tpu.memref_slice %arg5[%mul3A_2, %dma_wait3A_177] : memref<2048x256xf32, #tpu.memory_space<hbm>> -> memref<64x256xf32, #tpu.memory_space<hbm>>
    %dma_wait3A_179 = arith.constant 0 : i32
    %dma_wait3A_180 = tpu.memref_slice %arg5[%mul3A_2, %dma_wait3A_179] : memref<2048x256xf32, #tpu.memory_space<hbm>> -> memref<64x256xf32, #tpu.memory_space<hbm>>
    tpu.wait_dma2 semaphore(%arg11 : memref<!tpu.dma_semaphore, #tpu.memory_space<semaphore_mem>>) src(%arg8 : memref<64x256xf32, #tpu.memory_space<vmem>>) dst(%dma_wait3A_180 : memref<64x256xf32, #tpu.memory_space<hbm>>)
    %dma_wait3A_181 = arith.constant 0 : i32
    %dma_wait3A_182 = arith.constant 0 : i32
    %dma_wait3A_183 = tpu.memref_slice %arg10[%dma_wait3A_181, %dma_wait3A_182] : memref<64x512xf32, #tpu.memory_space<vmem>> -> memref<16x512xf32, #tpu.memory_space<vmem>>
    %dma_wait3A_184 = arith.constant 0 : i32
    %dma_wait3A_185 = tpu.memref_slice %arg6[%add3A_112, %dma_wait3A_184] : memref<2048x512xf32, #tpu.memory_space<hbm>> -> memref<16x512xf32, #tpu.memory_space<hbm>>
    %dma_wait3A_186 = arith.constant 0 : i32
    %dma_wait3A_187 = tpu.memref_slice %arg6[%add3A_112, %dma_wait3A_186] : memref<2048x512xf32, #tpu.memory_space<hbm>> -> memref<16x512xf32, #tpu.memory_space<hbm>>
    %dma_wait3A_188 = arith.constant 0 : i32
    %dma_wait3A_189 = arith.constant 0 : i32
    %dma_wait3A_190 = tpu.memref_slice %arg10[%dma_wait3A_188, %dma_wait3A_189] : memref<64x512xf32, #tpu.memory_space<vmem>> -> memref<16x512xf32, #tpu.memory_space<vmem>>
    tpu.wait_dma2 semaphore(%arg12 : memref<!tpu.dma_semaphore, #tpu.memory_space<semaphore_mem>>) src(%dma_wait3A_190 : memref<16x512xf32, #tpu.memory_space<vmem>>) dst(%dma_wait3A_187 : memref<16x512xf32, #tpu.memory_space<hbm>>)
    %dma_wait3A_191 = arith.constant 16 : i32
    %dma_wait3A_192 = arith.constant 0 : i32
    %dma_wait3A_193 = tpu.memref_slice %arg10[%dma_wait3A_191, %dma_wait3A_192] : memref<64x512xf32, #tpu.memory_space<vmem>> -> memref<16x512xf32, #tpu.memory_space<vmem>>
    %dma_wait3A_194 = arith.constant 0 : i32
    %dma_wait3A_195 = tpu.memref_slice %arg6[%add3A_130, %dma_wait3A_194] : memref<2048x512xf32, #tpu.memory_space<hbm>> -> memref<16x512xf32, #tpu.memory_space<hbm>>
    %dma_wait3A_196 = arith.constant 0 : i32
    %dma_wait3A_197 = tpu.memref_slice %arg6[%add3A_130, %dma_wait3A_196] : memref<2048x512xf32, #tpu.memory_space<hbm>> -> memref<16x512xf32, #tpu.memory_space<hbm>>
    %dma_wait3A_198 = arith.constant 16 : i32
    %dma_wait3A_199 = arith.constant 0 : i32
    %dma_wait3A_200 = tpu.memref_slice %arg10[%dma_wait3A_198, %dma_wait3A_199] : memref<64x512xf32, #tpu.memory_space<vmem>> -> memref<16x512xf32, #tpu.memory_space<vmem>>
    tpu.wait_dma2 semaphore(%arg12 : memref<!tpu.dma_semaphore, #tpu.memory_space<semaphore_mem>>) src(%dma_wait3A_200 : memref<16x512xf32, #tpu.memory_space<vmem>>) dst(%dma_wait3A_197 : memref<16x512xf32, #tpu.memory_space<hbm>>)
    %dma_wait3A_201 = arith.constant 32 : i32
    %dma_wait3A_202 = arith.constant 0 : i32
    %dma_wait3A_203 = tpu.memref_slice %arg10[%dma_wait3A_201, %dma_wait3A_202] : memref<64x512xf32, #tpu.memory_space<vmem>> -> memref<16x512xf32, #tpu.memory_space<vmem>>
    %dma_wait3A_204 = arith.constant 0 : i32
    %dma_wait3A_205 = tpu.memref_slice %arg6[%add3A_148, %dma_wait3A_204] : memref<2048x512xf32, #tpu.memory_space<hbm>> -> memref<16x512xf32, #tpu.memory_space<hbm>>
    %dma_wait3A_206 = arith.constant 0 : i32
    %dma_wait3A_207 = tpu.memref_slice %arg6[%add3A_148, %dma_wait3A_206] : memref<2048x512xf32, #tpu.memory_space<hbm>> -> memref<16x512xf32, #tpu.memory_space<hbm>>
    %dma_wait3A_208 = arith.constant 32 : i32
    %dma_wait3A_209 = arith.constant 0 : i32
    %dma_wait3A_210 = tpu.memref_slice %arg10[%dma_wait3A_208, %dma_wait3A_209] : memref<64x512xf32, #tpu.memory_space<vmem>> -> memref<16x512xf32, #tpu.memory_space<vmem>>
    tpu.wait_dma2 semaphore(%arg12 : memref<!tpu.dma_semaphore, #tpu.memory_space<semaphore_mem>>) src(%dma_wait3A_210 : memref<16x512xf32, #tpu.memory_space<vmem>>) dst(%dma_wait3A_207 : memref<16x512xf32, #tpu.memory_space<hbm>>)
    %dma_wait3A_211 = arith.constant 48 : i32
    %dma_wait3A_212 = arith.constant 0 : i32
    %dma_wait3A_213 = tpu.memref_slice %arg10[%dma_wait3A_211, %dma_wait3A_212] : memref<64x512xf32, #tpu.memory_space<vmem>> -> memref<16x512xf32, #tpu.memory_space<vmem>>
    %dma_wait3A_214 = arith.constant 0 : i32
    %dma_wait3A_215 = tpu.memref_slice %arg6[%add3A_166, %dma_wait3A_214] : memref<2048x512xf32, #tpu.memory_space<hbm>> -> memref<16x512xf32, #tpu.memory_space<hbm>>
    %dma_wait3A_216 = arith.constant 0 : i32
    %dma_wait3A_217 = tpu.memref_slice %arg6[%add3A_166, %dma_wait3A_216] : memref<2048x512xf32, #tpu.memory_space<hbm>> -> memref<16x512xf32, #tpu.memory_space<hbm>>
    %dma_wait3A_218 = arith.constant 48 : i32
    %dma_wait3A_219 = arith.constant 0 : i32
    %dma_wait3A_220 = tpu.memref_slice %arg10[%dma_wait3A_218, %dma_wait3A_219] : memref<64x512xf32, #tpu.memory_space<vmem>> -> memref<16x512xf32, #tpu.memory_space<vmem>>
    tpu.wait_dma2 semaphore(%arg12 : memref<!tpu.dma_semaphore, #tpu.memory_space<semaphore_mem>>) src(%dma_wait3A_220 : memref<16x512xf32, #tpu.memory_space<vmem>>) dst(%dma_wait3A_217 : memref<16x512xf32, #tpu.memory_space<hbm>>)
    return
  }
}

module attributes {stable_mosaic.version = 14 : i64} {
  func.func @_tc_body(%arg0: i32, %arg1: memref<512x256xf32, #tpu.memory_space<vmem>>, %arg2: memref<512x512xf32, #tpu.memory_space<vmem>>, %arg3: memref<512x1xi32, #tpu.memory_space<vmem>>, %arg4: memref<768x256xf32, #tpu.memory_space<vmem>>, %arg5: memref<512x768xf32, #tpu.memory_space<vmem>>, %arg6: memref<2x768xf32, #tpu.memory_space<vmem>>, %arg7: memref<1x768xf32, #tpu.memory_space<vmem>>, %arg8: memref<1x768xf32, #tpu.memory_space<vmem>>, %arg9: memref<512x768xf32, #tpu.memory_space<vmem>>) attributes {dimension_semantics = [#tpu.dimension_semantics<arbitrary>], iteration_bounds = array<i64: 4>, scalar_prefetch = 0 : i64, scratch_operands = 0 : i64, tpu.core_type = #tpu.core_type<tc>, window_params = [{transform_indices = @transform_0, window_bounds = array<i64: 512, 256>}, {transform_indices = @transform_1, window_bounds = array<i64: 512, 512>}, {transform_indices = @transform_2, window_bounds = array<i64: 512, 1>}, {pipeline_mode = #tpu.pipeline_mode<synchronous>, transform_indices = @transform_3, window_bounds = array<i64: 768, 256>}, {pipeline_mode = #tpu.pipeline_mode<synchronous>, transform_indices = @transform_4, window_bounds = array<i64: 512, 768>}, {pipeline_mode = #tpu.pipeline_mode<synchronous>, transform_indices = @transform_5, window_bounds = array<i64: 2, 768>}, {pipeline_mode = #tpu.pipeline_mode<synchronous>, transform_indices = @transform_6, window_bounds = array<i64: 1, 768>}, {pipeline_mode = #tpu.pipeline_mode<synchronous>, transform_indices = @transform_7, window_bounds = array<i64: 1, 768>}, {transform_indices = @transform_8, window_bounds = array<i64: 512, 768>}]} {
    %get3A = arith.constant 0 : index
    %get3A_0 = arith.constant 0 : index
    %get3A_1 = vector.load %arg2[%get3A, %get3A_0] : memref<512x512xf32, #tpu.memory_space<vmem>>, vector<512x512xf32>
    %get3A_2 = arith.constant 0 : index
    %get3A_3 = arith.constant 0 : index
    %get3A_4 = vector.load %arg1[%get3A_2, %get3A_3] : memref<512x256xf32, #tpu.memory_space<vmem>>, vector<512x256xf32>
    %get3A_5 = arith.constant 0 : index
    %get3A_6 = arith.constant 0 : index
    %get3A_7 = vector.load %arg4[%get3A_5, %get3A_6] : memref<768x256xf32, #tpu.memory_space<vmem>>, vector<768x256xf32>
    %dot_general3A = arith.constant dense<0.000000e+00> : vector<512x768xf32>
    %dot_general3A_8 = tpu.matmul %get3A_4, %get3A_7, %dot_general3A {dimension_numbers = #tpu.dot_dimension_numbers<[1], [1], [0], [0], [0, 0, 1, 0], [], []>, transpose_lhs_hint = false} : vector<512x256xf32>, vector<768x256xf32>, vector<512x768xf32> -> vector<512x768xf32>
    %get3A_9 = arith.constant 0 : index
    %get3A_10 = arith.constant 0 : index
    %get3A_11 = vector.load %arg5[%get3A_9, %get3A_10] : memref<512x768xf32, #tpu.memory_space<vmem>>, vector<512x768xf32>
    %dot_general3A_12 = arith.constant dense<0.000000e+00> : vector<512x768xf32>
    %dot_general3A_13 = tpu.matmul %get3A_1, %get3A_11, %dot_general3A_12 {dimension_numbers = #tpu.dot_dimension_numbers<[1], [0], [0], [1], [0, 0, 1, 1], [], []>, transpose_lhs_hint = false} : vector<512x512xf32>, vector<512x768xf32>, vector<512x768xf32> -> vector<512x768xf32>
    %reduce_sum3A = arith.constant dense<0.000000e+00> : vector<512xf32>
    %reduce_sum3A_14 = vector.multi_reduction <add>, %get3A_1, %reduce_sum3A [1] : vector<512x512xf32> to vector<512xf32>
    %broadcast_in_dim3A = vector.shape_cast %reduce_sum3A_14 : vector<512xf32> to vector<512x1xf32>
    %max3A = arith.constant 1.000000e-07 : f32
    %max3A_15 = vector.broadcast %max3A : f32 to vector<512x1xf32>
    %max3A_16 = arith.maximumf %broadcast_in_dim3A, %max3A_15 : vector<512x1xf32>
    %div3A = vector.broadcast %max3A_16 : vector<512x1xf32> to vector<512x768xf32>
    %div3A_17 = arith.divf %dot_general3A_13, %div3A : vector<512x768xf32>
    %get3A_18 = arith.constant 0 : index
    %get3A_19 = arith.constant 0 : index
    %get3A_20 = vector.load %arg6[%get3A_18, %get3A_19] : memref<2x768xf32, #tpu.memory_space<vmem>>, vector<1x768xf32>
    %get3A_21 = arith.constant 1 : index
    %get3A_22 = arith.constant 0 : index
    %get3A_23 = vector.load %arg6[%get3A_21, %get3A_22] : memref<2x768xf32, #tpu.memory_space<vmem>>, vector<1x768xf32>
    %get3A_24 = arith.constant 0 : index
    %get3A_25 = arith.constant 0 : index
    %get3A_26 = vector.load %arg3[%get3A_24, %get3A_25] : memref<512x1xi32, #tpu.memory_space<vmem>>, vector<512x1xi32>
    %convert_element_type3A = arith.sitofp %get3A_26 : vector<512x1xi32> to vector<512x1xf32>
    %sub3A = arith.subf %get3A_23, %get3A_20 : vector<1x768xf32>
    %mul3A = vector.broadcast %convert_element_type3A : vector<512x1xf32> to vector<512x768xf32>
    %mul3A_27 = vector.broadcast %sub3A : vector<1x768xf32> to vector<512x768xf32>
    %mul3A_28 = arith.mulf %mul3A, %mul3A_27 : vector<512x768xf32>
    %add3A = vector.broadcast %get3A_20 : vector<1x768xf32> to vector<512x768xf32>
    %add3A_29 = arith.addf %add3A, %mul3A_28 : vector<512x768xf32>
    %add3A_30 = arith.addf %dot_general3A_8, %div3A_17 : vector<512x768xf32>
    %add3A_31 = arith.addf %add3A_30, %add3A_29 : vector<512x768xf32>
    %reduce_sum3A_32 = arith.constant dense<0.000000e+00> : vector<512xf32>
    %reduce_sum3A_33 = vector.multi_reduction <add>, %add3A_31, %reduce_sum3A_32 [1] : vector<512x768xf32> to vector<512xf32>
    %broadcast_in_dim3A_34 = vector.shape_cast %reduce_sum3A_33 : vector<512xf32> to vector<512x1xf32>
    %div3A_35 = arith.constant 7.680000e+02 : f32
    %div3A_36 = vector.broadcast %div3A_35 : f32 to vector<512x1xf32>
    %div3A_37 = arith.divf %broadcast_in_dim3A_34, %div3A_36 : vector<512x1xf32>
    %sub3A_38 = vector.broadcast %div3A_37 : vector<512x1xf32> to vector<512x768xf32>
    %sub3A_39 = arith.subf %add3A_31, %sub3A_38 : vector<512x768xf32>
    %mul3A_40 = arith.mulf %sub3A_39, %sub3A_39 : vector<512x768xf32>
    %reduce_sum3A_41 = arith.constant dense<0.000000e+00> : vector<512xf32>
    %reduce_sum3A_42 = vector.multi_reduction <add>, %mul3A_40, %reduce_sum3A_41 [1] : vector<512x768xf32> to vector<512xf32>
    %broadcast_in_dim3A_43 = vector.shape_cast %reduce_sum3A_42 : vector<512xf32> to vector<512x1xf32>
    %div3A_44 = arith.constant 7.680000e+02 : f32
    %div3A_45 = vector.broadcast %div3A_44 : f32 to vector<512x1xf32>
    %div3A_46 = arith.divf %broadcast_in_dim3A_43, %div3A_45 : vector<512x1xf32>
    %add3A_47 = arith.constant 9.99999996E-13 : f32
    %add3A_48 = vector.broadcast %add3A_47 : f32 to vector<512x1xf32>
    %add3A_49 = arith.addf %div3A_46, %add3A_48 : vector<512x1xf32>
    %rsqrt3A = math.rsqrt %add3A_49 : vector<512x1xf32>
    %mul3A_50 = vector.broadcast %rsqrt3A : vector<512x1xf32> to vector<512x768xf32>
    %mul3A_51 = arith.mulf %sub3A_39, %mul3A_50 : vector<512x768xf32>
    %get3A_52 = arith.constant 0 : index
    %get3A_53 = arith.constant 0 : index
    %get3A_54 = vector.load %arg7[%get3A_52, %get3A_53] : memref<1x768xf32, #tpu.memory_space<vmem>>, vector<1x768xf32>
    %mul3A_55 = vector.broadcast %get3A_54 : vector<1x768xf32> to vector<512x768xf32>
    %mul3A_56 = arith.mulf %mul3A_51, %mul3A_55 : vector<512x768xf32>
    %get3A_57 = arith.constant 0 : index
    %get3A_58 = arith.constant 0 : index
    %get3A_59 = vector.load %arg8[%get3A_57, %get3A_58] : memref<1x768xf32, #tpu.memory_space<vmem>>, vector<1x768xf32>
    %add3A_60 = vector.broadcast %get3A_59 : vector<1x768xf32> to vector<512x768xf32>
    %add3A_61 = arith.addf %mul3A_56, %add3A_60 : vector<512x768xf32>
    %swap3A = arith.constant 0 : index
    %swap3A_62 = arith.constant 0 : index
    %swap3A_63 = vector.load %arg9[%swap3A, %swap3A_62] : memref<512x768xf32, #tpu.memory_space<vmem>>, vector<512x768xf32>
    tpu.vector_store %arg9[%swap3A, %swap3A_62], %add3A_61 {strides = array<i32>} : memref<512x768xf32, #tpu.memory_space<vmem>>, vector<512x768xf32>,
    return
  }
  func.func @transform_0(%arg0: i32) -> (i32, i32) {
    %c0_i32 = arith.constant 0 : i32
    %c0_i32_0 = arith.constant 0 : i32
    return %arg0, %c0_i32 : i32, i32
  }
  func.func @transform_1(%arg0: i32) -> (i32, i32) {
    %c0_i32 = arith.constant 0 : i32
    %c0_i32_0 = arith.constant 0 : i32
    return %arg0, %c0_i32 : i32, i32
  }
  func.func @transform_2(%arg0: i32) -> (i32, i32) {
    %c0_i32 = arith.constant 0 : i32
    %c0_i32_0 = arith.constant 0 : i32
    return %arg0, %c0_i32 : i32, i32
  }
  func.func @transform_3(%arg0: i32) -> (i32, i32) {
    %c0_i32 = arith.constant 0 : i32
    %c0_i32_0 = arith.constant 0 : i32
    %c0_i32_1 = arith.constant 0 : i32
    return %c0_i32, %c0_i32_0 : i32, i32
  }
  func.func @transform_4(%arg0: i32) -> (i32, i32) {
    %c0_i32 = arith.constant 0 : i32
    %c0_i32_0 = arith.constant 0 : i32
    %c0_i32_1 = arith.constant 0 : i32
    return %c0_i32, %c0_i32_0 : i32, i32
  }
  func.func @transform_5(%arg0: i32) -> (i32, i32) {
    %c0_i32 = arith.constant 0 : i32
    %c0_i32_0 = arith.constant 0 : i32
    %c0_i32_1 = arith.constant 0 : i32
    return %c0_i32, %c0_i32_0 : i32, i32
  }
  func.func @transform_6(%arg0: i32) -> (i32, i32) {
    %c0_i32 = arith.constant 0 : i32
    %c0_i32_0 = arith.constant 0 : i32
    %c0_i32_1 = arith.constant 0 : i32
    return %c0_i32, %c0_i32_0 : i32, i32
  }
  func.func @transform_7(%arg0: i32) -> (i32, i32) {
    %c0_i32 = arith.constant 0 : i32
    %c0_i32_0 = arith.constant 0 : i32
    %c0_i32_1 = arith.constant 0 : i32
    return %c0_i32, %c0_i32_0 : i32, i32
  }
  func.func @transform_8(%arg0: i32) -> (i32, i32) {
    %c0_i32 = arith.constant 0 : i32
    %c0_i32_0 = arith.constant 0 : i32
    return %arg0, %c0_i32 : i32, i32
  }
}

</mosaic_0001>

<sc_bundles>
// kernel: kernel.4.cloned.1.call-start
scs
__scs_entry_jumppad:
0x0: {  	(pc) =	sbr.rel $0x88, $3  }
0x1: {  	(tag) =	ssettag $0x0;
	lr =	simm.s32 $0x1  }
0x2: {  	[smem:$0x3F98] =	sst lr;
	_ =	strace $0xD0000000  }
0x3: {  	_ = 	snop  }
0x4: {  	_ = 	snop  }
0x5: {  	_ = 	snop  }
0x6: {  	_ = 	snop  }
0x7: {  	_ = 	snop  }
__scs_overlays_trampoline_lowered:
0x8: {  	[smem:$0x3FA7] =	sst s0  }
0x9: {  	[smem:$0x3FA8] =	sst s1  }
0xa: {  	[smem:$0x3FA9] =	sst s2  }
0xb: {  	[smem:$0x3FAA] =	sst s3  }
0xc: {  	[smem:$0x3FAB] =	sst s4  }
0xd: {  	[smem:$0x3FAC] =	sst s5  }
0xe: {  	[smem:$0x3FAD] =	sst s6  }
0xf: {  	[smem:$0x3FAE] =	sst s7  }
0x10: {  	[smem:$0x3FAF] =	sst s8  }
0x11: {  	[smem:$0x3FB0] =	sst s9;
	s0 =	simm.s32 @!p0 $0x0  }
0x12: {  	s1 =	sld [smem:$0x3F96];
	s0 =	simm.s32 @p0 $0x1  }
0x13: {  	[smem:$0x3FB1] =	sst s0;
	s0 =	simm.s32 @!p1 $0x0  }
0x14: {  	s2 =	sld [smem:$0x3F95];
	s0 =	simm.s32 @p1 $0x1  }
0x15: {  	[smem:$0x3FB2] =	sst s0;
	s0 =	simm.s32 @!p2 $0x0  }
0x16: {  	s3 =	sld [smem:$0x3FDB];
	s0 =	simm.s32 @p2 $0x1  }
0x17: {  	s4 =	simm.s32 $0x1BF5;
	[smem:$0x3FB4] =	sst s0  }
0x18: {  	s0 =	sld [smem:$0x3F97];
	_ =	swait.ge [sflag:s4], $0x0  }
0x19: {  	s7 =	sld [smem:$0x3F98]  }
0x1a: {  	s8 =	sadd.s32 $0xFFFFE003, lr  }
0x1b: {  	s9 =	sadd.s32 $0xFFFFFEF7, lr;
	s5 =	simm.s32 $0xFFFFFFFF;
	p2 =	slt.u32 s8, $0xFFFFF086  }
0x1c: {  	p1 =	slt.u32 s9, $0xF7A;
	s5 =	simm.s32 @!p2 $0x0  }
0x1d: {  	s5 =	simm.s32 @p1 $0x1;
	p0 =	seq.s32 s7, s2  }
0x1e: {  	s7 =	smul.u32 @!p0 $0xF7A, s2;
	p2 =	seq.s32 @!p0 s5, $0x0  }
0x1f: {  	s9 =	smul.u32 $0xF7A, s1;
	s8 =	simm.s32 @!p0 $0x1BF5;
	p2 =	por !p2, p0  }
0x20: {  	[sflag:s8] =	ssyncset.s32 @!p0 $0xFFFFF086;
	s6 =	sadd.s32 @!p0 s3, s7;
	s7 =	simm.s32 @!p0 $0x108  }
0x21: {  	s3 =	sadd.s32 s3, s9;
	s6 =	sadd.s32 @!p0 $0x88, s6;
	s7 =	simm.s32 @p2 $0x1082  }
0x22: {  	[simem:s7], [sflag:s8] =	dma.local @!p0 [hbm:s6], $0xF7A  }
0x23: {  	s9 =	sor.u32 $0xD0000000, s2;
	s6 =	simm.s32 $0x108;
	_ =	swait.ge @!p0 [sflag:s8], $0x0  }
0x24: {  	s3 =	sadd.s32 $0x88, s3;
	s6 =	simm.s32 @!p1 $0x1082;
	[sflag:s4] =	ssyncset.s32 $0xFFFFF086  }
0x25: {  	[simem:s6], [sflag:s4] =	dma.local [hbm:s3], $0xF7A  }
0x26: {  	[smem:$0x3F98] =	sst s1;
	(tag) =	ssettag s2;
	_ =	strace s9  }
0x27: {  	s1 =	sld [smem:$0x3FA8]  }
0x28: {  	s2 =	sld [smem:$0x3FA9]  }
0x29: {  	s4 =	sld [smem:$0x3FAB]  }
0x2a: {  	p0 =	seq.s32 s5, $0x0;
	s5 =	sld [smem:$0x3FAC]  }
0x2b: {  	s6 =	sld [smem:$0x3FAD]  }
0x2c: {  	s7 =	sld [smem:$0x3FAE]  }
0x2d: {  	s3 =	simm.s32 $0x108;
	s8 =	sld [smem:$0x3FAF]  }
0x2e: {  	s3 =	simm.s32 @!p0 $0x1082;
	s9 =	sld [smem:$0x3FB0]  }
0x2f: {  	lr =	sadd.s32 s0, s3;
	s0 =	sld [smem:$0x3FA7]  }
0x30: {  	s3 =	sld [smem:$0x3FAA]  }
0x31: {  	[smem:$0x3FB3] =	sst s10  }
0x32: {  	s10 =	sld [smem:$0x3FB1];
	_ =	sdelay $0x3  }
0x33: {  	p0 =	seq.s32 s10, $0x1;
	s10 =	sld [smem:$0x3FB3];
	_ =	sdelay $0x3  }
0x34: {  	[smem:$0x3FB3] =	sst s10  }
0x35: {  	s10 =	sld [smem:$0x3FB2];
	_ =	sdelay $0x3  }
0x36: {  	p1 =	seq.s32 s10, $0x1;
	s10 =	sld [smem:$0x3FB3];
	_ =	sdelay $0x3  }
0x37: {  	[smem:$0x3FB3] =	sst s10  }
0x38: {  	s10 =	sld [smem:$0x3FB4]  }
0x39: {  	_ = 	snop;
	(pc) =	sbr.ind lr, $3  }
0x3a: {  	_ = 	snop  }
0x3b: {  	_ = 	snop  }
0x3c: {  	p2 =	seq.s32 s10, $0x1;
	s10 =	sld [smem:$0x3FB3]  }
0x3d: {  	_ =	shalt  }
0x3e: {  	_ =	shalt  }
0x3f: {  	_ =	shalt  }
0x40: {  	_ =	shalt  }
0x41: {  	_ =	shalt  }
0x42: {  	_ =	shalt  }
0x43: {  	_ =	shalt  }
0x44: {  	_ =	shalt  }
0x45: {  	_ =	shalt  }
0x46: {  	_ =	shalt  }
0x47: {  	_ =	shalt  }
0x48: {  	_ =	shalt  }
0x49: {  	_ =	shalt  }
0x4a: {  	_ =	shalt  }
0x4b: {  	_ =	shalt  }
0x4c: {  	_ =	shalt  }
0x4d: {  	_ =	shalt  }
0x4e: {  	_ =	shalt  }
0x4f: {  	_ =	shalt  }
0x50: {  	_ =	shalt  }
0x51: {  	_ =	shalt  }
0x52: {  	_ =	shalt  }
0x53: {  	_ =	shalt  }
0x54: {  	_ =	shalt  }
0x55: {  	_ =	shalt  }
0x56: {  	_ =	shalt  }
0x57: {  	_ =	shalt  }
0x58: {  	_ =	shalt  }
0x59: {  	_ =	shalt  }
0x5a: {  	_ =	shalt  }
0x5b: {  	_ =	shalt  }
0x5c: {  	_ =	shalt  }
0x5d: {  	_ =	shalt  }
0x5e: {  	_ =	shalt  }
0x5f: {  	_ =	shalt  }
0x60: {  	_ =	shalt  }
0x61: {  	_ =	shalt  }
0x62: {  	_ =	shalt  }
0x63: {  	_ =	shalt  }
0x64: {  	_ =	shalt  }
0x65: {  	_ =	shalt  }
0x66: {  	_ =	shalt  }
0x67: {  	_ =	shalt  }
0x68: {  	_ =	shalt  }
0x69: {  	_ =	shalt  }
0x6a: {  	_ =	shalt  }
0x6b: {  	_ =	shalt  }
0x6c: {  	_ =	shalt  }
0x6d: {  	_ =	shalt  }
0x6e: {  	_ =	shalt  }
0x6f: {  	_ =	shalt  }
0x70: {  	_ =	shalt  }
0x71: {  	_ =	shalt  }
0x72: {  	_ =	shalt  }
0x73: {  	_ =	shalt  }
0x74: {  	_ =	shalt  }
0x75: {  	_ =	shalt  }
0x76: {  	_ =	shalt  }
0x77: {  	_ =	shalt  }
0x78: {  	_ =	shalt  }
0x79: {  	_ =	shalt  }
0x7a: {  	_ =	shalt  }
0x7b: {  	_ =	shalt  }
0x7c: {  	_ =	shalt  }
0x7d: {  	_ =	shalt  }
0x7e: {  	_ =	shalt  }
0x7f: {  	_ =	shalt  }
0x80: {  	_ =	shalt  }
0x81: {  	_ =	shalt  }
0x82: {  	_ =	shalt  }
0x83: {  	_ =	shalt  }
0x84: {  	_ =	shalt  }
0x85: {  	_ =	shalt  }
0x86: {  	_ =	shalt  }
0x87: {  	_ =	shalt  }
.Lfunc_end0:
.L_simem_size_0:
called_computation_lowered:
.L_overlay_start_0:
0x88: {  	s2 =	sld [smem:$0x3FD9]  }
0x89: {  	s3 =	sld [smem:$0x3FFE];
	_ =	sdelay $0x1  }
0x8a: {  	s1 =	srdreg.scid  }
0x8b: {  	s0 =	sand.u32 $0x1, s1  }
0x8c: {  	s17 =	sshll.u32 s0, $0xA;
	s2 =	sadd.s32 s3, s2  }
0x8d: {  	s2 =	sadd.s32 s2, s17  }
0x8e: {  	[smem:$0x3FBF] =	sst s2  }
0x8f: {  	_ = 	snop  }
0x90: {  	s2 =	sld [smem:$0x3FC9]  }
0x91: {  	s18 =	sld [smem:$0x3FC6]  }
0x92: {  	s4 =	sld [smem:$0x3FD0];
	(tm) =	ssettm $0x1  }
0x93: {  	s5 =	sld [smem:$0x3FFB];
	_ =	sdelay $0x3  }
0x94: {  	_ =	strace s5  }
0x95: {  	s5 =	sld [smem:$0x3FFC];
	_ =	sdelay $0x3  }
0x96: {  	_ =	strace s5  }
0x97: {  	s5 =	sld [smem:$0x3FFD];
	_ =	sdelay $0x3  }
0x98: {  	_ =	strace s5  }
0x99: {  	_ =	strace $0x8FFFFFFF  }
0x9a: {  	s19 =	sld [smem:$0x3FDB];
	_ =	sdelay $0x1  }
0x9b: {  	s6 =	simm.s32 $_scs_section_size  }
0x9c: {  	s7 =	simm.s32 $_size__tile_overlayer_lowered;
	s8 =	simm.s32 $_tile_overlayer_lowered  }
0x9d: {  	s22 =	simm.s32 $0x1BFF;
	s21 =	sshll.u32 s8, $0x1;
	s5 =	sadd.s32 s6, s19  }
0x9e: {  	s9 =	simm.s32 $0x0;
	s20 =	sshll.u32 s7, $0x1;
	s7 =	sadd.s32 s21, s5  }
0x9f: {  	[timem:s9], [sflag:s22] =	dma.local [hbm:s7], s20  }
0xa0: {  	_ =	swait.ge [sflag:s22], s20  }
0xa1: {  	s6 =	ssub.s32 $0x0, s20;
	[sflag:s22] =	ssyncset.done $0x0  }
0xa2: {  	[sflag:s22] =	ssyncadd.s32 s6;
	_ =	sdelay $0x1  }
0xa3: {  	s23 =	simm.s32 $0x1B8B  }
0xa4: {  	_ =	swait.ge [sflag:s23], $0x1  }
0xa5: {  	[sflag:s23] =	ssyncset.done $0x0  }
0xa6: {  	s25 =	simm.s32 $0x1B8E;
	s24 =	sld [smem:$0x3FFE];
	[sflag:s23] =	ssyncadd.s32 $0xFFFFFFFF  }
0xa7: {  	s26 =	simm.s32 $execute0_lowered;
	[smem:$0x3FD2] =	sst s25  }
0xa8: {  	s7 =	sshll.u32 s26, $0x1;
	_ =	strace $0x80000046;
	[dreg:$0x1] =	wrdreg $0xFFFFFFFF  }
0xa9: {  	s28 =	simm.s32 $_size_execute0_lowered;
	s5 =	sadd.s32 s5, s7;
	[dreg:$0x0] =	wrdreg $0x0  }
0xaa: {  	s7 =	sshll.u32 s28, $0x1;
	[dreg:$0x2] =	wrdreg s5  }
0xab: {  	[dreg:$0x3] =	wrdreg s7  }
0xac: {  	[dreg:$0x4] =	wrdreg $0xC0  }
0xad: {  	_ =	task [dreg:s9], $0x5FFFF  }
0xae: {  	[dreg:$0x1] =	wrdreg $0xFFFFFFFF  }
0xaf: {  	[dreg:$0x0] =	wrdreg $0x60  }
0xb0: {  	[dreg:$0x2] =	wrdreg s18  }
0xb1: {  	[dreg:$0x3] =	wrdreg s2  }
0xb2: {  	[dreg:$0x4] =	wrdreg s24  }
0xb3: {  	[dreg:$0x5] =	wrdreg s4  }
0xb4: {  	[dreg:$0x6] =	wrdreg $0x9  }
0xb5: {  	_ =	task.clear_ibuf [dreg:s9], $0x7FFFF;
	_ =	strace $0x90000046  }
0xb6: {  	s29 =	simm.s32 $0x9;
	_ =	strace $0x80000048  }
0xb7: {  	_ =	swait.ge [sflag:s29], $0x1  }
0xb8: {  	[sflag:s29] =	ssyncadd.s32 $0xFFFFFFFF  }
0xb9: {  	_ =	strace $0x90000048  }
0xba: {  	_ =	sfence  }
0xbb: {  	s30 =	sld [smem:$0x0];
	_ =	sdelay $0x2  }
0xbc: {  	s31 =	sshll.u32 s1, $0xD;
	s1 =	sshrl.u32 s1, $0x2  }
0xbd: {  	s3 =	sand.u32 $0x4000, s31;
	s1 =	sadd.s32 s1, s30  }
0xbe: {  	s0 =	sor.u32 s3, s0;
	s1 =	sshll.u32 s1, $0x11  }
0xbf: {  	s0 =	sor.u32 s1, s0  }
0xc0: {  	s0 =	sadd.s32 $0x8F2B, s0  }
0xc1: {  	[sflag:s0] =	ssyncadd.remote.s32 $0x1  }
0xc2: {  	_ =	sfence.sel $0xFFFF  }
0xc3: {  	[dreg:$0x0] =	wrdreg $0xFFFFFFFF;
	(pc) =	sbr.abs _section_cstart, $3  }
0xc4: {  	[dreg:$0x1] =	wrdreg $0xFFFFFFFF  }
0xc5: {  	_ =	task.clear_ibuf [dreg:s9], $0x2FFFF;
	_ =	strace $0x9FFFFFFF  }
0xc6: {  	(tm) =	ssettm $0x7FFFFFFF  }
0xc7: {  	_ =	shalt  }
tec
execute0_lowered:
.L_overlay_start_1:
0x0: {  	(tag) =	ssettag $0x1  }
0x1: {  	s0 =	srdreg.scid;
	s5 =	rddreg [dreg:$0x1]  }
0x2: {  	s4 =	stileid.u32;
	s6 =	rddreg [dreg:$0x2]  }
0x3: {  	s3 =	simm.s32 $0x1;
	s7 =	rddreg [dreg:$0x3];
	s13 =	simm.s32 $0x3  }
0x4: {  	s14 =	simm.s32 $0x80;
	s19 =	simm.s32 $0x2880;
	s20 =	simm.s32 $0x3080  }
0x5: {  	s21 =	simm.s32 $0x3880;
	s22 =	simm.s32 $0x4080;
	s23 =	simm.s32 $0x2  }
0x6: {  	s24 =	simm.s32 $0x6080;
	s25 =	simm.s32 $0x8080;
	s26 =	simm.s32 $0xA080  }
0x7: {  	s28 =	simm.s32 $0xC080;
	s0 =	sand.u32 $0x1, s0;
	s1 =	sshll.u32 s4, $0x1  }
0x8: {  	s29 =	simm.s32 $0x0;
	s2 =	sor.u32 s0, s1;
	s1 =	rddreg [dreg:$0x0]  }
0x9: {  	p1 =	seq.s32 s0, $0x1;
	s9 =	sshll.u32 s0, $0xD;
	s11 =	ssub.s32 $0x2, s0  }
0xa: {  	s0 =	sshll.u32 s0, $0x6;
	p0 =	seq.s32 s2, $0x0;
	s10 =	sshll.u32 s2, $0xB  }
0xb: {  	s31 =	sshrl.u32 s11, $0x1;
	s2 =	sshll.u32 s2, $0xC;
	p0 =	por !p0, !p1  }
0xc: {  	s10 =	sadd.s32 s10, s6;
	s7 =	sadd.s32 s7, s2;
	p0 =	por !p0, !p0  }
0xd: {  	s12 =	ssub.s32 s11, s31;
	s11 =	sadd.s32 $0xC00, s7;
	s3 =	simm.s32 @!p0 $0x0  }
0xe: {  	s12 =	smax.u32 s12, $0x1;
	s8 =	ssub.s32 s4, s3;
	s3 =	simm.s32 $0x0  }
0xf: {  	s4 =	sshll.u32 s8, $0xE;
	[smem:$0x7FF] =	sst s3;
	s8 =	sshll.u32 s8, $0x7  }
0x10: {  	s4 =	sor.u32 s9, s4;
	_ =	strace $0x80000047;
	s0 =	sor.u32 s0, s8  }
0x11: {  	v2 =	vlaneseq.u32;
	vm0 =	vmmov $0xffff;
	v3 =	vimm.f32 $0.0e+00;
	s8 =	sadd.s32 $0x9800, s10;
	s10 =	sadd.s32 $0x800, s7;
	s9 =	sshrl.u32 s4, $0x3  }
0x12: {  	vm1 =	vcmask $0x3F08;
	v4 =	vimm.f32 $1.000000000e+00;
	v1 =	vshrl.u32 v2, $0x3;
	s4 =	simm.s32 $0x1;
	s0 =	sshrl.u32 s0, $0x3;
	s9 =	sadd.s32 s9, s6  }
0x13: {  	v0 =	vand.u32 $0x7, v2;
	v2 =	vor.u32 $0x8, v2;
	v1 =	vmul.u32 $0x8, v1;
	s5 =	sadd.s32 s5, s0;
	s6 =	sadd.s32 $0x1800, s9;
	s9 =	sadd.s32 $0x400, s7  }
.LBB2_1:
0x14: {  	[tilespmem:s3], [sflag:$0x3] =	stream.linear.gather [hbm4b:s5+s3], $0x40, $0x38;
	[tilespmem:$0xE080] =	vst v63  }
0x15: {  	_ =	swait.ge [sflag:s13], $0x40  }
0x16: {  	[sflag:s13] =	ssyncset.done $0x0  }
0x17: {  	[sflag:s13] =	ssyncadd.s32 $0xFFFFFFC0  }
0x18: {  	v5 =	vld [tilespmem:$0x0];
	_ =	sdelay $0x4  }
0x19: {  	v6 =	vshll.u32 v5, $0x1  }
0x1a: {  	v5 =	vand.u32 $0x7, v5;
	v6 =	vand.u32 $0xFFFFFFF0, v6  }
0x1b: {  	v5 =	vor.u32 v5, v6  }
0x1c: {  	v6 =	vperm.xlane v5, v0;
	_ =	sdelay $0x1  }
0x1d: {  	v5 =	vperm.xlane v5, v2;
	v6 =	vadd.s32 v1, v6;
	_ =	sdelay $0x1  }
0x1e: {  	v5 =	vadd.s32 v1, v5;
	_ =	sdelay $0x2  }
0x1f: {  	[tilespmem:s14], [sflag:$0x1] =	stream.indirect_vreg.gather [hbm4b:s1+s3], $0x80, v6, vm0, $0xb8;
	[tilespmem:$0xE080] =	vst v63  }
0x20: {  	s0 =	simm.s32 $0x880  }
0x21: {  	[tilespmem:s0], [sflag:$0x1] =	stream.indirect_vreg.gather [hbm4b:s1+s3], $0x80, v5, vm0, $0xb8;
	[tilespmem:$0xE080] =	vst v63  }
0x22: {  	v5 =	vld [tilespmem:$0x10];
	_ =	sdelay $0x4  }
0x23: {  	v6 =	vshll.u32 v5, $0x1  }
0x24: {  	v5 =	vand.u32 $0x7, v5;
	v6 =	vand.u32 $0xFFFFFFF0, v6  }
0x25: {  	v5 =	vor.u32 v5, v6  }
0x26: {  	v6 =	vperm.xlane v5, v0;
	_ =	sdelay $0x1  }
0x27: {  	v5 =	vperm.xlane v5, v2;
	v6 =	vadd.s32 v1, v6;
	_ =	sdelay $0x1  }
0x28: {  	v5 =	vadd.s32 v1, v5;
	_ =	sdelay $0x1  }
0x29: {  	s15 =	simm.s32 $0x1080  }
0x2a: {  	[tilespmem:s15], [sflag:$0x1] =	stream.indirect_vreg.gather [hbm4b:s1+s3], $0x80, v6, vm0, $0xb8;
	[tilespmem:$0xE080] =	vst v63  }
0x2b: {  	s16 =	simm.s32 $0x1880  }
0x2c: {  	[tilespmem:s16], [sflag:$0x1] =	stream.indirect_vreg.gather [hbm4b:s1+s3], $0x80, v5, vm0, $0xb8;
	[tilespmem:$0xE080] =	vst v63  }
0x2d: {  	v5 =	vld [tilespmem:$0x20];
	_ =	sdelay $0x4  }
0x2e: {  	v6 =	vshll.u32 v5, $0x1  }
0x2f: {  	v5 =	vand.u32 $0x7, v5;
	v6 =	vand.u32 $0xFFFFFFF0, v6  }
0x30: {  	v5 =	vor.u32 v5, v6  }
0x31: {  	v6 =	vperm.xlane v5, v0;
	_ =	sdelay $0x1  }
0x32: {  	v5 =	vperm.xlane v5, v2;
	v6 =	vadd.s32 v1, v6;
	_ =	sdelay $0x1  }
0x33: {  	v5 =	vadd.s32 v1, v5;
	_ =	sdelay $0x1  }
0x34: {  	s17 =	simm.s32 $0x2080  }
0x35: {  	[tilespmem:s17], [sflag:$0x1] =	stream.indirect_vreg.gather [hbm4b:s1+s3], $0x80, v6, vm0, $0xb8;
	[tilespmem:$0xE080] =	vst v63  }
0x36: {  	_ = 	snop  }
0x37: {  	[tilespmem:s19], [sflag:$0x1] =	stream.indirect_vreg.gather [hbm4b:s1+s3], $0x80, v5, vm0, $0xb8;
	[tilespmem:$0xE080] =	vst v63  }
0x38: {  	v5 =	vld [tilespmem:$0x30];
	_ =	sdelay $0x4  }
0x39: {  	v6 =	vshll.u32 v5, $0x1  }
0x3a: {  	v5 =	vand.u32 $0x7, v5;
	v6 =	vand.u32 $0xFFFFFFF0, v6  }
0x3b: {  	v5 =	vor.u32 v5, v6  }
0x3c: {  	v6 =	vperm.xlane v5, v0;
	_ =	sdelay $0x1  }
0x3d: {  	v5 =	vperm.xlane v5, v2;
	v6 =	vadd.s32 v1, v6;
	_ =	sdelay $0x1  }
0x3e: {  	v5 =	vadd.s32 v1, v5  }
0x3f: {  	s18 =	sand.u32 $0x40, s3;
	s2 =	simm.s32 $0x0;
	s30 =	sand.u32 $0xC00, s3  }
0x40: {  	s31 =	simm.s32 $0x0;
	s2 =	sand.u32 $0x7000, s2;
	s0 =	sor.u32 s18, s30  }
0x41: {  	[tilespmem:s20], [sflag:$0x1] =	stream.indirect_vreg.gather [hbm4b:s1+s3], $0x80, v6, vm0, $0xb8;
	[tilespmem:$0xE080] =	vst v63  }
0x42: {  	s30 =	sand.u32 $0x380, s31;
	s0 =	sor.u32 s0, s2  }
0x43: {  	[tilespmem:s21], [sflag:$0x1] =	stream.indirect_vreg.gather [hbm4b:s1+s3], $0x80, v5, vm0, $0xb8;
	[tilespmem:$0xE080] =	vst v63  }
0x44: {  	s31 =	sor.u32 s30, s0  }
0x45: {  	[tilespmem:s22], [sflag:$0x2] =	stream.linear.gather [hbm4b:s6+s3], $0x2000, $0x38;
	[tilespmem:$0xE080] =	vst v63  }
0x46: {  	s2 =	simm.s32 $0x40;
	s30 =	simm.s32 $0x1;
	s0 =	simm.s32 $0x0;
	[tilespmem:s31+$0x60B0] =	vst v3  }
.LBB2_2:
0x47: {  	s15 =	sand.u32 $0x40, s2;
	s16 =	sshll.u32 s30, $0x6  }
0x48: {  	[tilespmem:s31+$0x6080] =	vst v3;
	s0 =	sadd.s32 $0x200, s0;
	s17 =	smov.u32 s30;
	p0 =	sne.s32 s30, $0x1FF  }
.Ltmp0:
0x49: {  	s30 =	sadd.s32 $0x1, s30;
	s18 =	sand.u32 $0xC00, s0;
	[tilespmem:s31+$0x6090] =	vst v3;
	(pc) =	sbr.rel @p0 .LBB2_2-.Ltmp0, $4  }
0x4a: {  	s16 =	sand.u32 $0x7000, s16;
	s17 =	sshll.u32 s17, $0x4;
	s15 =	sor.u32 s15, s18;
	[tilespmem:s31+$0x60A0] =	vst v3  }
0x4b: {  	s17 =	sand.u32 $0x380, s17;
	s15 =	sor.u32 s15, s16  }
0x4c: {  	s31 =	sor.u32 s17, s15  }
0x4d: {  	s2 =	sadd.s32 $0x40, s2;
	[tilespmem:s31+$0x60B0] =	vst v3  }
0x4e: {  	[tilespmem:s31+$0x6080] =	vst v3  }
0x4f: {  	[tilespmem:s31+$0x6090] =	vst v3  }
0x50: {  	[tilespmem:s31+$0x60A0] =	vst v3  }
0x51: {  	_ =	swait.ge [sflag:s23], $0x2000  }
0x52: {  	[sflag:s23] =	ssyncset.done $0x0  }
0x53: {  	[sflag:s23] =	ssyncadd.s32 $0xFFFFE000  }
0x54: {  	_ =	swait.ge [sflag:s4], $0x4000  }
0x55: {  	[sflag:s4] =	ssyncset.done $0x0  }
0x56: {  	s0 =	simm.s32 $0x0;
	s30 =	simm.s32 $0x4080;
	[sflag:s4] =	ssyncadd.s32 $0xFFFFC000  }
0x57: {  	[hbm4b:s8+s0] =	stream.linear.scatter [tilespmem:s14], [sflag:$0x1], $0x4000, $0x38;
	[tilespmem:$0xE080] =	vst v63  }
0x58: {  	v5 =	vld [tilespmem:s30+$0x0]  }
0x59: {  	v6 =	vld [tilespmem:s30+$0xE];
	_ =	sdelay $0x1  }
0x5a: {  	v7 =	vmov s0  }
0x5b: {  	v8 =	vshll.u32 v7, $0x9;
	v7 =	vshll.u32 v7, $0x7  }
0x5c: {  	v8 =	vand.u32 $0x1000, v8;
	v7 =	vand.u32 $0x380, v7  }
0x5d: {  	vm2 =	vgt.s32 v5, $0xFFFFFFFF;
	v9 =	vshll.u32 v5, $0x3;
	v10 =	vshll.u32 v6, $0x3  }
0x5e: {  	v5 =	vand.u32 $0x7F, v5;
	v9 =	vand.u32 $0xFFFFFC00, v9;
	v10 =	vand.u32 $0xFFFFFC00, v10  }
0x5f: {  	v63 =	vand.u32 $0x7F, v6;
	v9 =	vadd.s32 v8, v9;
	v8 =	vadd.s32 v8, v10  }
0x60: {  	vm3 =	vgt.s32 v6, $0xFFFFFFFF;
	v5 =	vor.u32 v5, v9;
	v6 =	vor.u32 v63, v8  }
0x61: {  	s31 =	simm.s32 $0x1;
	vm3 =	vmand vm3, vm1;
	v5 =	vor.u32 v7, v5;
	v6 =	vor.u32 v7, v6  }
.LBB2_4:
0x62: {  	p0 =	sne.s32 s31, $0xF  }
0x63: {  	s30 =	sadd.s32 $0x80, s30;
	s0 =	smov.u32 s31;
	s31 =	sadd.s32 $0x1, s31  }
0x64: {  	_ =	sdelay $0x1  }
0x65: {  	[tilespmem:v5+s24+$0x0] =	vst.idx.add.f32.msk vm2, v4  }
0x66: {  	[tilespmem:v6+s24+$0x0] =	vst.idx.add.f32.msk vm3, v4  }
0x67: {  	v6 =	vmov s0;
	v5 =	vld [tilespmem:s30+$0x0]  }
0x68: {  	v8 =	vshll.u32 v6, $0x9;
	v7 =	vld [tilespmem:s30+$0xE]  }
0x69: {  	v6 =	vshll.u32 v6, $0x7  }
0x6a: {  	v8 =	vand.u32 $0x1000, v8  }
0x6b: {  	v6 =	vand.u32 $0x380, v6  }
0x6c: {  	vm2 =	vgt.s32 v5, $0xFFFFFFFF;
	v9 =	vand.u32 $0x7F, v5;
	v5 =	vshll.u32 v5, $0x3  }
.Ltmp1:
0x6d: {  	vm3 =	vgt.s32 v7, $0xFFFFFFFF;
	v5 =	vand.u32 $0xFFFFFC00, v5;
	v10 =	vshll.u32 v7, $0x3;
	(pc) =	sbr.rel @p0 .LBB2_4-.Ltmp1, $4  }
0x6e: {  	vm3 =	vmand vm3, vm1;
	v5 =	vadd.s32 v8, v5;
	v10 =	vand.u32 $0xFFFFFC00, v10  }
0x6f: {  	v7 =	vand.u32 $0x7F, v7;
	v5 =	vor.u32 v9, v5;
	v8 =	vadd.s32 v8, v10  }
0x70: {  	v5 =	vor.u32 v6, v5;
	v7 =	vor.u32 v7, v8  }
0x71: {  	v6 =	vor.u32 v6, v7  }
0x72: {  	_ =	sdelay $0x4  }
0x73: {  	[tilespmem:v5+s24+$0x0] =	vst.idx.add.f32.msk vm2, v4  }
0x74: {  	s30 =	simm.s32 $0x4880;
	[tilespmem:v6+s24+$0x0] =	vst.idx.add.f32.msk vm3, v4  }
0x75: {  	[hbm4b:s7+s3] =	stream.linear.scatter [tilespmem:s24], [sflag:$0x2], $0x2000, $0x38;
	[tilespmem:$0xE080] =	vst v63  }
0x76: {  	v5 =	vld [tilespmem:s30+$0x0]  }
0x77: {  	v6 =	vld [tilespmem:s30+$0xE]  }
0x78: {  	s0 =	simm.s32 $0x10  }
0x79: {  	v7 =	vmov s0  }
0x7a: {  	v8 =	vshll.u32 v7, $0x9;
	v7 =	vshll.u32 v7, $0x7  }
0x7b: {  	v8 =	vand.u32 $0x3000, v8;
	v7 =	vand.u32 $0x380, v7  }
0x7c: {  	vm2 =	vgt.s32 v5, $0xFFFFFFFF;
	v9 =	vshll.u32 v5, $0x3;
	v10 =	vshll.u32 v6, $0x3  }
0x7d: {  	v5 =	vand.u32 $0x7F, v5;
	v9 =	vand.u32 $0xFFFFFC00, v9;
	v10 =	vand.u32 $0xFFFFFC00, v10  }
0x7e: {  	v63 =	vand.u32 $0x7F, v6;
	v9 =	vadd.s32 v8, v9;
	v8 =	vadd.s32 v8, v10  }
0x7f: {  	vm3 =	vgt.s32 v6, $0xFFFFFFFF;
	v5 =	vor.u32 v5, v9;
	v6 =	vor.u32 v63, v8  }
0x80: {  	s31 =	simm.s32 $0x11;
	vm3 =	vmand vm3, vm1;
	v5 =	vor.u32 v7, v5;
	v6 =	vor.u32 v7, v6  }
.LBB2_6:
0x81: {  	p0 =	sne.s32 s31, $0x1F  }
0x82: {  	s30 =	sadd.s32 $0x80, s30;
	s0 =	smov.u32 s31;
	s31 =	sadd.s32 $0x1, s31  }
0x83: {  	_ =	sdelay $0x1  }
0x84: {  	[tilespmem:v5+s24+$0x0] =	vst.idx.add.f32.msk vm2, v4  }
0x85: {  	[tilespmem:v6+s24+$0x0] =	vst.idx.add.f32.msk vm3, v4  }
0x86: {  	v6 =	vmov s0;
	v5 =	vld [tilespmem:s30+$0x0]  }
0x87: {  	v8 =	vshll.u32 v6, $0x9;
	v7 =	vld [tilespmem:s30+$0xE]  }
0x88: {  	v6 =	vshll.u32 v6, $0x7  }
0x89: {  	v8 =	vand.u32 $0x3000, v8  }
0x8a: {  	v6 =	vand.u32 $0x380, v6  }
0x8b: {  	vm2 =	vgt.s32 v5, $0xFFFFFFFF;
	v9 =	vand.u32 $0x7F, v5;
	v5 =	vshll.u32 v5, $0x3  }
.Ltmp2:
0x8c: {  	vm3 =	vgt.s32 v7, $0xFFFFFFFF;
	v5 =	vand.u32 $0xFFFFFC00, v5;
	v10 =	vshll.u32 v7, $0x3;
	(pc) =	sbr.rel @p0 .LBB2_6-.Ltmp2, $4  }
0x8d: {  	vm3 =	vmand vm3, vm1;
	v5 =	vadd.s32 v8, v5;
	v10 =	vand.u32 $0xFFFFFC00, v10  }
0x8e: {  	v7 =	vand.u32 $0x7F, v7;
	v5 =	vor.u32 v9, v5;
	v8 =	vadd.s32 v8, v10  }
0x8f: {  	v5 =	vor.u32 v6, v5;
	v7 =	vor.u32 v7, v8  }
0x90: {  	v6 =	vor.u32 v6, v7  }
0x91: {  	_ =	sdelay $0x4  }
0x92: {  	[tilespmem:v5+s24+$0x0] =	vst.idx.add.f32.msk vm2, v4  }
0x93: {  	s30 =	simm.s32 $0x5080;
	[tilespmem:v6+s24+$0x0] =	vst.idx.add.f32.msk vm3, v4  }
0x94: {  	[hbm4b:s9+s3] =	stream.linear.scatter [tilespmem:s25], [sflag:$0x2], $0x2000, $0x38;
	[tilespmem:$0xE080] =	vst v63  }
0x95: {  	v5 =	vld [tilespmem:s30+$0x0]  }
0x96: {  	v6 =	vld [tilespmem:s30+$0xE]  }
0x97: {  	s0 =	simm.s32 $0x20  }
0x98: {  	v7 =	vmov s0  }
0x99: {  	v8 =	vshll.u32 v7, $0x9;
	v7 =	vshll.u32 v7, $0x7  }
0x9a: {  	v8 =	vand.u32 $0x7000, v8;
	v7 =	vand.u32 $0x380, v7  }
0x9b: {  	vm2 =	vgt.s32 v5, $0xFFFFFFFF;
	v9 =	vshll.u32 v5, $0x3;
	v10 =	vshll.u32 v6, $0x3  }
0x9c: {  	v5 =	vand.u32 $0x7F, v5;
	v9 =	vand.u32 $0xFFFFFC00, v9;
	v10 =	vand.u32 $0xFFFFFC00, v10  }
0x9d: {  	v63 =	vand.u32 $0x7F, v6;
	v9 =	vadd.s32 v8, v9;
	v8 =	vadd.s32 v8, v10  }
0x9e: {  	vm3 =	vgt.s32 v6, $0xFFFFFFFF;
	v5 =	vor.u32 v5, v9;
	v6 =	vor.u32 v63, v8  }
0x9f: {  	s31 =	simm.s32 $0x21;
	vm3 =	vmand vm3, vm1;
	v5 =	vor.u32 v7, v5;
	v6 =	vor.u32 v7, v6  }
.LBB2_8:
0xa0: {  	p0 =	sne.s32 s31, $0x2F  }
0xa1: {  	s30 =	sadd.s32 $0x80, s30;
	s0 =	smov.u32 s31;
	s31 =	sadd.s32 $0x1, s31  }
0xa2: {  	_ =	sdelay $0x1  }
0xa3: {  	[tilespmem:v5+s24+$0x0] =	vst.idx.add.f32.msk vm2, v4  }
0xa4: {  	[tilespmem:v6+s24+$0x0] =	vst.idx.add.f32.msk vm3, v4  }
0xa5: {  	v6 =	vmov s0;
	v5 =	vld [tilespmem:s30+$0x0]  }
0xa6: {  	v8 =	vshll.u32 v6, $0x9;
	v7 =	vld [tilespmem:s30+$0xE]  }
0xa7: {  	v6 =	vshll.u32 v6, $0x7  }
0xa8: {  	v8 =	vand.u32 $0x7000, v8  }
0xa9: {  	v6 =	vand.u32 $0x380, v6  }
0xaa: {  	vm2 =	vgt.s32 v5, $0xFFFFFFFF;
	v9 =	vand.u32 $0x7F, v5;
	v5 =	vshll.u32 v5, $0x3  }
.Ltmp3:
0xab: {  	vm3 =	vgt.s32 v7, $0xFFFFFFFF;
	v5 =	vand.u32 $0xFFFFFC00, v5;
	v10 =	vshll.u32 v7, $0x3;
	(pc) =	sbr.rel @p0 .LBB2_8-.Ltmp3, $4  }
0xac: {  	vm3 =	vmand vm3, vm1;
	v5 =	vadd.s32 v8, v5;
	v10 =	vand.u32 $0xFFFFFC00, v10  }
0xad: {  	v7 =	vand.u32 $0x7F, v7;
	v5 =	vor.u32 v9, v5;
	v8 =	vadd.s32 v8, v10  }
0xae: {  	v5 =	vor.u32 v6, v5;
	v7 =	vor.u32 v7, v8  }
0xaf: {  	v6 =	vor.u32 v6, v7  }
0xb0: {  	_ =	sdelay $0x4  }
0xb1: {  	[tilespmem:v5+s24+$0x0] =	vst.idx.add.f32.msk vm2, v4  }
0xb2: {  	s30 =	simm.s32 $0x5880;
	[tilespmem:v6+s24+$0x0] =	vst.idx.add.f32.msk vm3, v4  }
0xb3: {  	[hbm4b:s10+s3] =	stream.linear.scatter [tilespmem:s26], [sflag:$0x2], $0x2000, $0x38;
	[tilespmem:$0xE080] =	vst v63  }
0xb4: {  	v5 =	vld [tilespmem:s30+$0x0]  }
0xb5: {  	v6 =	vld [tilespmem:s30+$0xE]  }
0xb6: {  	s0 =	simm.s32 $0x30  }
0xb7: {  	v7 =	vmov s0  }
0xb8: {  	v8 =	vshll.u32 v7, $0x9;
	v7 =	vshll.u32 v7, $0x7  }
0xb9: {  	v8 =	vand.u32 $0x7000, v8;
	v7 =	vand.u32 $0x380, v7  }
0xba: {  	vm2 =	vgt.s32 v5, $0xFFFFFFFF;
	v9 =	vshll.u32 v5, $0x3;
	v10 =	vshll.u32 v6, $0x3  }
0xbb: {  	v5 =	vand.u32 $0x7F, v5;
	v9 =	vand.u32 $0xFFFFFC00, v9;
	v10 =	vand.u32 $0xFFFFFC00, v10  }
0xbc: {  	v63 =	vand.u32 $0x7F, v6;
	v9 =	vadd.s32 v8, v9;
	v8 =	vadd.s32 v8, v10  }
0xbd: {  	vm3 =	vgt.s32 v6, $0xFFFFFFFF;
	v5 =	vor.u32 v5, v9;
	v6 =	vor.u32 v63, v8  }
0xbe: {  	s31 =	simm.s32 $0x31;
	vm3 =	vmand vm3, vm1;
	v5 =	vor.u32 v7, v5;
	v6 =	vor.u32 v7, v6  }
.LBB2_10:
0xbf: {  	p0 =	sne.s32 s31, $0x3F  }
0xc0: {  	s30 =	sadd.s32 $0x80, s30;
	s0 =	smov.u32 s31;
	s31 =	sadd.s32 $0x1, s31  }
0xc1: {  	_ =	sdelay $0x1  }
0xc2: {  	[tilespmem:v5+s24+$0x0] =	vst.idx.add.f32.msk vm2, v4  }
0xc3: {  	[tilespmem:v6+s24+$0x0] =	vst.idx.add.f32.msk vm3, v4  }
0xc4: {  	v6 =	vmov s0;
	v5 =	vld [tilespmem:s30+$0x0]  }
0xc5: {  	v8 =	vshll.u32 v6, $0x9;
	v7 =	vld [tilespmem:s30+$0xE]  }
0xc6: {  	v6 =	vshll.u32 v6, $0x7  }
0xc7: {  	v8 =	vand.u32 $0x7000, v8  }
0xc8: {  	v6 =	vand.u32 $0x380, v6  }
0xc9: {  	vm2 =	vgt.s32 v5, $0xFFFFFFFF;
	v9 =	vand.u32 $0x7F, v5;
	v5 =	vshll.u32 v5, $0x3  }
.Ltmp4:
0xca: {  	vm3 =	vgt.s32 v7, $0xFFFFFFFF;
	v5 =	vand.u32 $0xFFFFFC00, v5;
	v10 =	vshll.u32 v7, $0x3;
	(pc) =	sbr.rel @p0 .LBB2_10-.Ltmp4, $4  }
0xcb: {  	vm3 =	vmand vm3, vm1;
	v5 =	vadd.s32 v8, v5;
	v10 =	vand.u32 $0xFFFFFC00, v10  }
0xcc: {  	v7 =	vand.u32 $0x7F, v7;
	v5 =	vor.u32 v9, v5;
	v8 =	vadd.s32 v8, v10  }
0xcd: {  	v5 =	vor.u32 v6, v5;
	v7 =	vor.u32 v7, v8  }
0xce: {  	v6 =	vor.u32 v6, v7  }
0xcf: {  	_ =	sdelay $0x4  }
0xd0: {  	[tilespmem:v5+s24+$0x0] =	vst.idx.add.f32.msk vm2, v4  }
0xd1: {  	[tilespmem:v6+s24+$0x0] =	vst.idx.add.f32.msk vm3, v4  }
0xd2: {  	[hbm4b:s11+s3] =	stream.linear.scatter [tilespmem:s28], [sflag:$0x2], $0x2000, $0x38;
	[tilespmem:$0xE080] =	vst v63  }
0xd3: {  	_ =	swait.ge [sflag:s4], $0x4000  }
0xd4: {  	[sflag:s4] =	ssyncset.done $0x0  }
0xd5: {  	[sflag:s4] =	ssyncadd.s32 $0xFFFFC000  }
0xd6: {  	_ =	swait.ge [sflag:s23], $0x2000  }
0xd7: {  	[sflag:s23] =	ssyncset.done $0x0  }
0xd8: {  	[sflag:s23] =	ssyncadd.s32 $0xFFFFE000  }
0xd9: {  	_ =	swait.ge [sflag:s23], $0x2000  }
0xda: {  	[sflag:s23] =	ssyncset.done $0x0  }
0xdb: {  	s29 =	sadd.s32 $0x1, s29;
	[sflag:s23] =	ssyncadd.s32 $0xFFFFE000  }
0xdc: {  	p0 =	sne.s32 s29, s12;
	_ =	swait.ge [sflag:s23], $0x2000  }
.Ltmp5:
0xdd: {  	[sflag:s23] =	ssyncset.done $0x0;
	(pc) =	sbr.rel @p0 .LBB2_1-.Ltmp5, $4  }
0xde: {  	[sflag:s23] =	ssyncadd.s32 $0xFFFFE000  }
0xdf: {  	_ =	swait.ge [sflag:s23], $0x2000  }
0xe0: {  	[sflag:s23] =	ssyncset.done $0x0  }
0xe1: {  	[sflag:s23] =	ssyncadd.s32 $0xFFFFE000  }
0xe2: {  	_ =	sfence.sel $0x180000  }
0xe3: {  	[bflag:$0x0] =	sbarrier.arrive $0xFFFF  }
0xe4: {  	_ =	strace $0x90000047  }
0xe5: {  	s0 =	stileid.u32;
	[bflag:$0x2] =	sbarrier.arrive $0xFFFF  }
0xe6: {  	p0 =	sne.s32 s0, $0x0;
	s0 =	rddreg [dreg:$0x4]  }
0xe7: {  	s0 =	sadd.s32 @!p0 $0x100000, s0  }
0xe8: {  	[sflag:s0] =	ssyncadd.tile.s32 @!p0 $0x1;
	_ =	shalt  }
.Lfunc_end2:
_tile_overlayer_lowered:
.L_overlay_start_2:
0xe9: {  	(tag) =	ssettag $0x2  }
0xea: {  	s0 =	rddreg [dreg:$0x0];
	s2 =	stileid.u32  }
0xeb: {  	s1 =	rddreg [dreg:$0x1];
	p0 =	sne.s32 s2, $0x0  }
0xec: {  	s3 =	rddreg [dreg:$0x2];
	[bflag:$0x3] =	sbarrier.arrive $0xFFFF;
	s2 =	simm.s32 @!p0 $0x1C03  }
0xed: {  	[timem:s3], [sflag:s2] =	dma.local @!p0 [hbm:s0], s1  }
0xee: {  	s0 =	simm.s32 @!p0 $0x3  }
0xef: {  	_ =	swait.ge @!p0 [sflag:s0], s1  }
0xf0: {  	s1 =	ssub.s32 @!p0 $0x0, s1;
	[sflag:s0] =	ssyncset.done @!p0 $0x0  }
0xf1: {  	[sflag:s0] =	ssyncadd.s32 @!p0 s1  }
0xf2: {  	[bflag:$0x3] =	sbarrier.arrive $0xFFFF  }
0xf3: {  	_ =	shalt  }

</sc_bundles>
